<compile_context>
chip_gen: v7x
topology: tpu7x:2x2x1
jax: 0.10.2.dev20260603
libtpu: 0.0.44.dev20260713+nightly
codegen_flags: <defaults>
</compile_context>

<pallas_src>
import functools

import jax
import jax.numpy as jnp
from jax import lax
from jax.experimental import pallas as pl
from jax.experimental.pallas import tpu as pltpu
from jax.experimental.pallas import tpu_sc as plsc

N = 10000
E = 640000
H = 128
NC, NS = 2, 16
NW = NC * NS
EPW = E // NW
L = 16

_SC_MESH = dict(core_axis_name="c", subcore_axis_name="s",
                num_cores=NC, num_subcores=NS)


def _make_seg_sum(with_count: bool):
    out_type = [jax.ShapeDtypeStruct((NW, N), jnp.float32)]
    scratch = [
        pltpu.VMEM((N,), jnp.float32),
        pltpu.VMEM((EPW,), jnp.int32),
        pltpu.VMEM((EPW,), jnp.int32),
        pltpu.VMEM((N,), jnp.float32),
    ]
    if with_count:
        out_type.append(jax.ShapeDtypeStruct((NW, N), jnp.float32))
        scratch.append(pltpu.VMEM((N,), jnp.float32))
    scratch += [pltpu.SemaphoreType.DMA] * 3

    UNROLL = 25
    assert (EPW // L) % UNROLL == 0

    @functools.partial(
        pl.kernel,
        out_type=out_type,
        mesh=plsc.VectorSubcoreMesh(**_SC_MESH),
        scratch_types=scratch,
        compiler_params=pltpu.CompilerParams(needs_layout_passes=False),
    )
    def seg(vals_hbm, src_hbm, dst_hbm, acc_out, *rest):
        if with_count:
            cnt_out, vals_v, src_v, dst_v, acc_v, cnt_v, s0, s1, s2 = rest
        else:
            vals_v, src_v, dst_v, acc_v, s0, s1, s2 = rest
        wid = lax.axis_index("s") * NC + lax.axis_index("c")
        base = wid * EPW
        c0 = pltpu.async_copy(vals_hbm, vals_v, s0)
        c1 = pltpu.async_copy(src_hbm.at[pl.ds(base, EPW)], src_v, s1)
        c2 = pltpu.async_copy(dst_hbm.at[pl.ds(base, EPW)], dst_v, s2)

        zeros = jnp.zeros((L,), jnp.float32)

        def zbody(i):
            acc_v[pl.ds(i * L, L)] = zeros
            if with_count:
                cnt_v[pl.ds(i * L, L)] = zeros

        plsc.parallel_loop(0, N // L, unroll=5)(zbody)
        c0.wait()
        c1.wait()
        c2.wait()

        ones = jnp.ones((L,), jnp.float32)

        def ebody(i):
            si = src_v[pl.ds(i * L, L)]
            di = dst_v[pl.ds(i * L, L)]
            v = plsc.load_gather(vals_v, [si])
            plsc.addupdate_scatter(acc_v, [di], v)
            if with_count:
                plsc.addupdate_scatter(cnt_v, [di], ones)

        plsc.parallel_loop(0, EPW // L, unroll=UNROLL)(ebody)

        pltpu.sync_copy(acc_v, acc_out.at[wid])
        if with_count:
            pltpu.sync_copy(cnt_v, cnt_out.at[wid])

    return seg


@functools.lru_cache(maxsize=None)
def _get_seg_kernel(with_count: bool):
    return _make_seg_sum(with_count)


def _seg_sum_cnt(vals, src, dst):
    return _get_seg_kernel(True)(vals, src, dst)


def _seg_sum(vals, src, dst):
    return _get_seg_kernel(False)(vals, src, dst)


def _node_phase(x_row, acc_p, cnt_p, ws1c, wn1c, b1c, ws2c, wn2c):

    def body(x_ref, acc_ref, cnt_ref, ws1_ref, wn1_ref, b1_ref, ws2_ref,
             wn2_ref, s_ref, u_ref, deg_ref):
        deg = jnp.maximum(jnp.sum(cnt_ref[...], axis=0, keepdims=True), 1.0)
        m1 = jnp.sum(acc_ref[...], axis=0, keepdims=True) / deg
        h1 = jnp.tanh(ws1_ref[...] * x_ref[...] + wn1_ref[...] * m1
                      + b1_ref[...])
        s_ref[...] = jnp.dot(ws2_ref[...], h1,
                             preferred_element_type=jnp.float32)
        u_ref[...] = jnp.dot(wn2_ref[...], h1,
                             preferred_element_type=jnp.float32)
        deg_ref[...] = deg

    return pl.pallas_call(
        body,
        out_shape=[jax.ShapeDtypeStruct((1, N), jnp.float32),
                   jax.ShapeDtypeStruct((1, N), jnp.float32),
                   jax.ShapeDtypeStruct((1, N), jnp.float32)],
    )(x_row, acc_p, cnt_p, ws1c, wn1c, b1c, ws2c, wn2c)


def _o1_matvec(s, sum2_p, deg, b2, w3, b3_row, block_rows=200):
    nsteps = N // block_rows
    s3 = s.reshape(nsteps, 1, block_rows)
    deg3 = deg.reshape(nsteps, 1, block_rows)
    p3 = sum2_p.reshape(NW, nsteps, block_rows).transpose(1, 0, 2)

    def body(s_ref, p_ref, deg_ref, b2_ref, w3_ref, b3_ref, o1_ref, o2_ref):
        i = pl.program_id(0)
        p = p_ref[...].reshape(NW, block_rows)
        m2 = jnp.sum(p, axis=0, keepdims=True) \
            / deg_ref[...].reshape(1, block_rows)
        o1b = s_ref[...].reshape(1, block_rows) + m2 + b2_ref[0, 0]
        o1_ref[...] = o1b.reshape(1, 1, block_rows)
        h2 = jnp.tanh(o1b)

        @pl.when(i == 0)
        def _():
            o2_ref[...] = b3_ref[...]

        o2_ref[...] += jnp.dot(h2, w3_ref[...],
                               preferred_element_type=jnp.float32)

    o1_3d, o2 = pl.pallas_call(
        body,
        grid=(nsteps,),
        in_specs=[
            pl.BlockSpec((1, 1, block_rows), lambda i: (i, 0, 0)),
            pl.BlockSpec((1, NW, block_rows), lambda i: (i, 0, 0)),
            pl.BlockSpec((1, 1, block_rows), lambda i: (i, 0, 0)),
            pl.BlockSpec(memory_space=pltpu.SMEM),
            pl.BlockSpec((block_rows, N), lambda i: (i, 0)),
            pl.BlockSpec((1, N), lambda i: (0, 0)),
        ],
        out_specs=[pl.BlockSpec((1, 1, block_rows), lambda i: (i, 0, 0)),
                   pl.BlockSpec((1, N), lambda i: (0, 0))],
        out_shape=[jax.ShapeDtypeStruct((nsteps, 1, block_rows), jnp.float32),
                   jax.ShapeDtypeStruct((1, N), jnp.float32)],
    )(s3, p3, deg3, b2, w3, b3_row)
    return o1_3d.reshape(1, N), o2


def kernel(node_features, edge_index, w_self1, w_neigh1, b1, w_self2,
           w_neigh2, b2, w3, b3):
    x_flat = node_features.reshape(N)
    src = edge_index[0]
    dst = edge_index[1]

    sum1_p, cnt_p = _seg_sum_cnt(x_flat, src, dst)

    x_row = node_features.reshape(1, N)
    ws1c = w_self1.reshape(H, 1)
    wn1c = w_neigh1.reshape(H, 1)
    b1c = b1.reshape(H, 1)
    ws2c = w_self2.reshape(1, H)
    wn2c = w_neigh2.reshape(1, H)
    s, u, deg = _node_phase(x_row, sum1_p, cnt_p, ws1c, wn1c, b1c, ws2c, wn2c)

    (sum2_p,) = _seg_sum(u.reshape(N), src, dst)

    o1, o2 = _o1_matvec(s, sum2_p, deg, b2.reshape(1, 1), w3,
                        b3.reshape(1, N))
    return (o1, o2)

# --- scband reference (transcript-rebuilt; emitter-appended) ---
"""Pipeline reference for scband-graph-policy-network-4612794876151 (READ-ONLY COPY).

The authoritative reference and input builder live on the scoring server;
editing this copy changes nothing except your own understanding.
"""

import jax, jax.numpy as jnp
import numpy as np

N_NODES = 10000
N_HIDDEN = 128
N_EDGES = 640000
N_FEAT = 1


def sage_mean(edge_index, x, w_self, w_neigh, b, num_nodes):
    # DGL-style SAGEConv with mean aggregator:
    # out = fc_self(x) + fc_neigh(mean_{j in N(i)} x_j) + bias
    src = edge_index[0]
    dst = edge_index[1]
    msg = x[src]  # gather: [E, d]
    agg = jax.ops.segment_sum(msg, dst, num_segments=num_nodes)  # scatter-add
    deg = jax.ops.segment_sum(jnp.ones((src.shape[0], 1), x.dtype), dst, num_segments=num_nodes)
    h_neigh = agg / jnp.maximum(deg, 1.0)
    return x @ w_self + h_neigh @ w_neigh + b


def setup_inputs(seed: int = 0) -> dict:
    key = jax.random.key(seed)
    ks = jax.random.split(key, 12)
    node_features = jax.random.normal(ks[0], (N_NODES, N_FEAT), dtype=jnp.float32)
    edge_index = jax.random.randint(ks[1], (2, N_EDGES), 0, N_NODES, dtype=jnp.int32)
    # SAGEConv layer 1: 1 -> n_hidden
    w_self1 = jax.random.normal(ks[2], (N_FEAT, N_HIDDEN), dtype=jnp.float32) * 0.1
    w_neigh1 = jax.random.normal(ks[3], (N_FEAT, N_HIDDEN), dtype=jnp.float32) * 0.1
    b1 = jnp.zeros((N_HIDDEN,), dtype=jnp.float32)
    # SAGEConv layer 2: n_hidden -> 1
    w_self2 = jax.random.normal(ks[4], (N_HIDDEN, N_FEAT), dtype=jnp.float32) * 0.1
    w_neigh2 = jax.random.normal(ks[5], (N_HIDDEN, N_FEAT), dtype=jnp.float32) * 0.1
    b2 = jnp.zeros((N_FEAT,), dtype=jnp.float32)
    # Dense layer 3: n_nodes -> n_nodes
    w3 = jax.random.normal(ks[6], (N_NODES, N_NODES), dtype=jnp.float32) * (1.0 / np.sqrt(N_NODES))
    b3 = jnp.zeros((N_NODES,), dtype=jnp.float32)
    return {
        "node_features": node_features,
        "edge_index": edge_index,
        "w_self1": w_self1, "w_neigh1": w_neigh1, "b1": b1,
        "w_self2": w_self2, "w_neigh2": w_neigh2, "b2": b2,
        "w3": w3, "b3": b3,
    }


def reference(node_features, edge_index, w_self1, w_neigh1, b1, w_self2, w_neigh2, b2, w3, b3):
    h1 = sage_mean(edge_index, node_features, w_self1, w_neigh1, b1, N_NODES)
    h1 = jnp.tanh(h1)
    o1 = sage_mean(edge_index, h1, w_self2, w_neigh2, b2, N_NODES)
    o1 = o1.reshape(-1, N_NODES)  # [1, n_nodes]
    h2 = jnp.tanh(o1)
    o2 = h2 @ w3 + b3  # [1, n_nodes]
    return (o1, o2)

if __name__ == "__main__":
    import jax
    _d = setup_inputs()
    print(jax.jit(kernel)(*tuple(_d.values())))

</pallas_src>

<mosaic_0001>
#map = affine_map<(d0, d1) -> (0)>
#map1 = affine_map<(d0, d1) -> (0, 0)>
module attributes {stable_mosaic.version = 14 : i64} {
  func.func @seg(%arg0: i32, %arg1: i32, %arg2: memref<10000xf32, #tpu.memory_space<hbm>>, %arg3: memref<640000xi32, #tpu.memory_space<hbm>>, %arg4: memref<640000xi32, #tpu.memory_space<hbm>>, %arg5: memref<32x10000xf32, #tpu.memory_space<hbm>>, %arg6: memref<32x10000xf32, #tpu.memory_space<hbm>>, %arg7: memref<10000xf32, #tpu.memory_space<vmem>>, %arg8: memref<20000xi32, #tpu.memory_space<vmem>>, %arg9: memref<20000xi32, #tpu.memory_space<vmem>>, %arg10: memref<10000xf32, #tpu.memory_space<vmem>>, %arg11: memref<10000xf32, #tpu.memory_space<vmem>>, %arg12: memref<!tpu.dma_semaphore, #tpu.memory_space<semaphore_mem>>, %arg13: memref<!tpu.dma_semaphore, #tpu.memory_space<semaphore_mem>>, %arg14: memref<!tpu.dma_semaphore, #tpu.memory_space<semaphore_mem>>) attributes {dimension_semantics = [#tpu.dimension_semantics<core_parallel>, #tpu.dimension_semantics<subcore_parallel>], iteration_bounds = array<i64: 2, 16>, scalar_prefetch = 0 : i64, scratch_operands = 8 : i64, tpu.core_type = #tpu.core_type<sc_vector_subcore>, window_params = [{transform_indices = #map}, {transform_indices = #map}, {transform_indices = #map}, {transform_indices = #map1}, {transform_indices = #map1}]} {
    %mul3A = arith.constant 2 : i32
    %mul3A_0 = arith.muli %arg1, %mul3A : i32
    %add3A = arith.addi %mul3A_0, %arg0 : i32
    %mul3A_1 = arith.constant 20000 : i32
    %mul3A_2 = arith.muli %add3A, %mul3A_1 : i32
    tpu.enqueue_dma source(%arg2 : memref<10000xf32, #tpu.memory_space<hbm>>) target(%arg7 : memref<10000xf32, #tpu.memory_space<vmem>>) target_semaphore(%arg12 : memref<!tpu.dma_semaphore, #tpu.memory_space<semaphore_mem>>)
    %dma_start3A = tpu.memref_slice %arg3[%mul3A_2] : memref<640000xi32, #tpu.memory_space<hbm>> -> memref<20000xi32, #tpu.memory_space<hbm>>
    %dma_start3A_3 = tpu.memref_slice %arg3[%mul3A_2] : memref<640000xi32, #tpu.memory_space<hbm>> -> memref<20000xi32, #tpu.memory_space<hbm>>
    tpu.enqueue_dma source(%dma_start3A_3 : memref<20000xi32, #tpu.memory_space<hbm>>) target(%arg8 : memref<20000xi32, #tpu.memory_space<vmem>>) target_semaphore(%arg13 : memref<!tpu.dma_semaphore, #tpu.memory_space<semaphore_mem>>)
    %dma_start3A_4 = tpu.memref_slice %arg4[%mul3A_2] : memref<640000xi32, #tpu.memory_space<hbm>> -> memref<20000xi32, #tpu.memory_space<hbm>>
    %dma_start3A_5 = tpu.memref_slice %arg4[%mul3A_2] : memref<640000xi32, #tpu.memory_space<hbm>> -> memref<20000xi32, #tpu.memory_space<hbm>>
    tpu.enqueue_dma source(%dma_start3A_5 : memref<20000xi32, #tpu.memory_space<hbm>>) target(%arg9 : memref<20000xi32, #tpu.memory_space<vmem>>) target_semaphore(%arg14 : memref<!tpu.dma_semaphore, #tpu.memory_space<semaphore_mem>>)
    %broadcast_in_dim3A = arith.constant 0.000000e+00 : f32
    %broadcast_in_dim3A_6 = vector.broadcast %broadcast_in_dim3A : f32 to vector<16xf32>
    %parallel_loop3A = arith.constant 0 : i32
    %parallel_loop3A_7 = arith.constant 625 : i32
    %parallel_loop3A_8 = arith.constant 1 : i32
    scf.for %parallel_loop3A_17 = %parallel_loop3A to %parallel_loop3A_7 step %parallel_loop3A_8  : i32 {
      %parallel_loop3A_18 = arith.constant 16 : i32
      %parallel_loop3A_19 = arith.muli %parallel_loop3A_17, %parallel_loop3A_18 : i32
      %parallel_loop3A_20 = arith.index_cast %parallel_loop3A_19 : i32 to index
      %parallel_loop3A_21 = tpu.vector_load %arg10[%parallel_loop3A_20] {strides = array<i32>} : memref<10000xf32, #tpu.memory_space<vmem>>, vector<16xf32>,
      tpu.vector_store %arg10[%parallel_loop3A_20], %broadcast_in_dim3A_6 {strides = array<i32>} : memref<10000xf32, #tpu.memory_space<vmem>>, vector<16xf32>,
      %parallel_loop3A_22 = arith.constant 16 : i32
      %parallel_loop3A_23 = arith.muli %parallel_loop3A_17, %parallel_loop3A_22 : i32
      %parallel_loop3A_24 = arith.index_cast %parallel_loop3A_23 : i32 to index
      %parallel_loop3A_25 = tpu.vector_load %arg11[%parallel_loop3A_24] {strides = array<i32>} : memref<10000xf32, #tpu.memory_space<vmem>>, vector<16xf32>,
      tpu.vector_store %arg11[%parallel_loop3A_24], %broadcast_in_dim3A_6 {strides = array<i32>} : memref<10000xf32, #tpu.memory_space<vmem>>, vector<16xf32>,
    } {sc.loop_unroll_factor = 5 : i64, sc.parallel_access}
    tpu.wait_dma2 semaphore(%arg12 : memref<!tpu.dma_semaphore, #tpu.memory_space<semaphore_mem>>) src(%arg2 : memref<10000xf32, #tpu.memory_space<hbm>>) dst(%arg7 : memref<10000xf32, #tpu.memory_space<vmem>>)
    %dma_wait3A = tpu.memref_slice %arg3[%mul3A_2] : memref<640000xi32, #tpu.memory_space<hbm>> -> memref<20000xi32, #tpu.memory_space<hbm>>
    %dma_wait3A_9 = tpu.memref_slice %arg3[%mul3A_2] : memref<640000xi32, #tpu.memory_space<hbm>> -> memref<20000xi32, #tpu.memory_space<hbm>>
    tpu.wait_dma2 semaphore(%arg13 : memref<!tpu.dma_semaphore, #tpu.memory_space<semaphore_mem>>) src(%dma_wait3A_9 : memref<20000xi32, #tpu.memory_space<hbm>>) dst(%arg8 : memref<20000xi32, #tpu.memory_space<vmem>>)
    %dma_wait3A_10 = tpu.memref_slice %arg4[%mul3A_2] : memref<640000xi32, #tpu.memory_space<hbm>> -> memref<20000xi32, #tpu.memory_space<hbm>>
    %dma_wait3A_11 = tpu.memref_slice %arg4[%mul3A_2] : memref<640000xi32, #tpu.memory_space<hbm>> -> memref<20000xi32, #tpu.memory_space<hbm>>
    tpu.wait_dma2 semaphore(%arg14 : memref<!tpu.dma_semaphore, #tpu.memory_space<semaphore_mem>>) src(%dma_wait3A_11 : memref<20000xi32, #tpu.memory_space<hbm>>) dst(%arg9 : memref<20000xi32, #tpu.memory_space<vmem>>)
    %broadcast_in_dim3A_12 = arith.constant 1.000000e+00 : f32
    %broadcast_in_dim3A_13 = vector.broadcast %broadcast_in_dim3A_12 : f32 to vector<16xf32>
    %parallel_loop3A_14 = arith.constant 0 : i32
    %parallel_loop3A_15 = arith.constant 1250 : i32
    %parallel_loop3A_16 = arith.constant 1 : i32
    scf.for %parallel_loop3A_17 = %parallel_loop3A_14 to %parallel_loop3A_15 step %parallel_loop3A_16  : i32 {
      %parallel_loop3A_18 = arith.constant 16 : i32
      %parallel_loop3A_19 = arith.muli %parallel_loop3A_17, %parallel_loop3A_18 : i32
      %parallel_loop3A_20 = arith.index_cast %parallel_loop3A_19 : i32 to index
      %parallel_loop3A_21 = tpu.vector_load %arg8[%parallel_loop3A_20] {strides = array<i32>} : memref<20000xi32, #tpu.memory_space<vmem>>, vector<16xi32>,
      %parallel_loop3A_22 = arith.constant 16 : i32
      %parallel_loop3A_23 = arith.muli %parallel_loop3A_17, %parallel_loop3A_22 : i32
      %parallel_loop3A_24 = arith.index_cast %parallel_loop3A_23 : i32 to index
      %parallel_loop3A_25 = tpu.vector_load %arg9[%parallel_loop3A_24] {strides = array<i32>} : memref<20000xi32, #tpu.memory_space<vmem>>, vector<16xi32>,
      %parallel_loop3A_26 = tpu.vector_load_idx %arg7[%parallel_loop3A_21] : memref<10000xf32, #tpu.memory_space<vmem>>[vector<16xi32>], vector<16xf32>,
      tpu.vector_store_idx %arg10[%parallel_loop3A_25], %parallel_loop3A_26 {add = true} : memref<10000xf32, #tpu.memory_space<vmem>>[vector<16xi32>], vector<16xf32>,
      tpu.vector_store_idx %arg11[%parallel_loop3A_25], %broadcast_in_dim3A_13 {add = true} : memref<10000xf32, #tpu.memory_space<vmem>>[vector<16xi32>], vector<16xf32>,
    } {sc.loop_unroll_factor = 25 : i64, sc.parallel_access}
    "tpu.region"() ({
      %run_scoped3A = tpu.sem_alloc : memref<!tpu.dma_semaphore, #tpu.memory_space<semaphore_mem>>
      %dma_start3A_17 = arith.constant 0 : i32
      %dma_start3A_18 = tpu.memref_slice %arg5[%add3A, %dma_start3A_17] : memref<32x10000xf32, #tpu.memory_space<hbm>> -> memref<1x10000xf32, #tpu.memory_space<hbm>>
      %dma_start3A_19 = tpu.memref_squeeze %dma_start3A_18 : memref<1x10000xf32, #tpu.memory_space<hbm>> -> memref<10000xf32, #tpu.memory_space<hbm>>
      %dma_start3A_20 = arith.constant 0 : i32
      %dma_start3A_21 = tpu.memref_slice %arg5[%add3A, %dma_start3A_20] : memref<32x10000xf32, #tpu.memory_space<hbm>> -> memref<1x10000xf32, #tpu.memory_space<hbm>>
      %dma_start3A_22 = tpu.memref_squeeze %dma_start3A_21 : memref<1x10000xf32, #tpu.memory_space<hbm>> -> memref<10000xf32, #tpu.memory_space<hbm>>
      tpu.enqueue_dma source(%arg10 : memref<10000xf32, #tpu.memory_space<vmem>>) target(%dma_start3A_22 : memref<10000xf32, #tpu.memory_space<hbm>>) target_semaphore(%run_scoped3A : memref<!tpu.dma_semaphore, #tpu.memory_space<semaphore_mem>>)
      %dma_wait3A_23 = arith.constant 0 : i32
      %dma_wait3A_24 = tpu.memref_slice %arg5[%add3A, %dma_wait3A_23] : memref<32x10000xf32, #tpu.memory_space<hbm>> -> memref<1x10000xf32, #tpu.memory_space<hbm>>
      %dma_wait3A_25 = tpu.memref_squeeze %dma_wait3A_24 : memref<1x10000xf32, #tpu.memory_space<hbm>> -> memref<10000xf32, #tpu.memory_space<hbm>>
      %dma_wait3A_26 = arith.constant 0 : i32
      %dma_wait3A_27 = tpu.memref_slice %arg5[%add3A, %dma_wait3A_26] : memref<32x10000xf32, #tpu.memory_space<hbm>> -> memref<1x10000xf32, #tpu.memory_space<hbm>>
      %dma_wait3A_28 = tpu.memref_squeeze %dma_wait3A_27 : memref<1x10000xf32, #tpu.memory_space<hbm>> -> memref<10000xf32, #tpu.memory_space<hbm>>
      tpu.wait_dma2 semaphore(%run_scoped3A : memref<!tpu.dma_semaphore, #tpu.memory_space<semaphore_mem>>) src(%arg10 : memref<10000xf32, #tpu.memory_space<vmem>>) dst(%dma_wait3A_28 : memref<10000xf32, #tpu.memory_space<hbm>>)
      tpu.yield
    }) : () -> ()
    "tpu.region"() ({
      %run_scoped3A = tpu.sem_alloc : memref<!tpu.dma_semaphore, #tpu.memory_space<semaphore_mem>>
      %dma_start3A_17 = arith.constant 0 : i32
      %dma_start3A_18 = tpu.memref_slice %arg6[%add3A, %dma_start3A_17] : memref<32x10000xf32, #tpu.memory_space<hbm>> -> memref<1x10000xf32, #tpu.memory_space<hbm>>
      %dma_start3A_19 = tpu.memref_squeeze %dma_start3A_18 : memref<1x10000xf32, #tpu.memory_space<hbm>> -> memref<10000xf32, #tpu.memory_space<hbm>>
      %dma_start3A_20 = arith.constant 0 : i32
      %dma_start3A_21 = tpu.memref_slice %arg6[%add3A, %dma_start3A_20] : memref<32x10000xf32, #tpu.memory_space<hbm>> -> memref<1x10000xf32, #tpu.memory_space<hbm>>
      %dma_start3A_22 = tpu.memref_squeeze %dma_start3A_21 : memref<1x10000xf32, #tpu.memory_space<hbm>> -> memref<10000xf32, #tpu.memory_space<hbm>>
      tpu.enqueue_dma source(%arg11 : memref<10000xf32, #tpu.memory_space<vmem>>) target(%dma_start3A_22 : memref<10000xf32, #tpu.memory_space<hbm>>) target_semaphore(%run_scoped3A : memref<!tpu.dma_semaphore, #tpu.memory_space<semaphore_mem>>)
      %dma_wait3A_23 = arith.constant 0 : i32
      %dma_wait3A_24 = tpu.memref_slice %arg6[%add3A, %dma_wait3A_23] : memref<32x10000xf32, #tpu.memory_space<hbm>> -> memref<1x10000xf32, #tpu.memory_space<hbm>>
      %dma_wait3A_25 = tpu.memref_squeeze %dma_wait3A_24 : memref<1x10000xf32, #tpu.memory_space<hbm>> -> memref<10000xf32, #tpu.memory_space<hbm>>
      %dma_wait3A_26 = arith.constant 0 : i32
      %dma_wait3A_27 = tpu.memref_slice %arg6[%add3A, %dma_wait3A_26] : memref<32x10000xf32, #tpu.memory_space<hbm>> -> memref<1x10000xf32, #tpu.memory_space<hbm>>
      %dma_wait3A_28 = tpu.memref_squeeze %dma_wait3A_27 : memref<1x10000xf32, #tpu.memory_space<hbm>> -> memref<10000xf32, #tpu.memory_space<hbm>>
      tpu.wait_dma2 semaphore(%run_scoped3A : memref<!tpu.dma_semaphore, #tpu.memory_space<semaphore_mem>>) src(%arg11 : memref<10000xf32, #tpu.memory_space<vmem>>) dst(%dma_wait3A_28 : memref<10000xf32, #tpu.memory_space<hbm>>)
      tpu.yield
    }) : () -> ()
    return
  }
}

#map = affine_map<(d0, d1) -> (0)>
#map1 = affine_map<(d0, d1) -> (0, 0)>
module attributes {stable_mosaic.version = 14 : i64} {
  func.func @seg(%arg0: i32, %arg1: i32, %arg2: memref<10000xf32, #tpu.memory_space<hbm>>, %arg3: memref<640000xi32, #tpu.memory_space<hbm>>, %arg4: memref<640000xi32, #tpu.memory_space<hbm>>, %arg5: memref<32x10000xf32, #tpu.memory_space<hbm>>, %arg6: memref<10000xf32, #tpu.memory_space<vmem>>, %arg7: memref<20000xi32, #tpu.memory_space<vmem>>, %arg8: memref<20000xi32, #tpu.memory_space<vmem>>, %arg9: memref<10000xf32, #tpu.memory_space<vmem>>, %arg10: memref<!tpu.dma_semaphore, #tpu.memory_space<semaphore_mem>>, %arg11: memref<!tpu.dma_semaphore, #tpu.memory_space<semaphore_mem>>, %arg12: memref<!tpu.dma_semaphore, #tpu.memory_space<semaphore_mem>>) attributes {dimension_semantics = [#tpu.dimension_semantics<core_parallel>, #tpu.dimension_semantics<subcore_parallel>], iteration_bounds = array<i64: 2, 16>, scalar_prefetch = 0 : i64, scratch_operands = 7 : i64, tpu.core_type = #tpu.core_type<sc_vector_subcore>, window_params = [{transform_indices = #map}, {transform_indices = #map}, {transform_indices = #map}, {transform_indices = #map1}]} {
    %mul3A = arith.constant 2 : i32
    %mul3A_0 = arith.muli %arg1, %mul3A : i32
    %add3A = arith.addi %mul3A_0, %arg0 : i32
    %mul3A_1 = arith.constant 20000 : i32
    %mul3A_2 = arith.muli %add3A, %mul3A_1 : i32
    tpu.enqueue_dma source(%arg2 : memref<10000xf32, #tpu.memory_space<hbm>>) target(%arg6 : memref<10000xf32, #tpu.memory_space<vmem>>) target_semaphore(%arg10 : memref<!tpu.dma_semaphore, #tpu.memory_space<semaphore_mem>>)
    %dma_start3A = tpu.memref_slice %arg3[%mul3A_2] : memref<640000xi32, #tpu.memory_space<hbm>> -> memref<20000xi32, #tpu.memory_space<hbm>>
    %dma_start3A_3 = tpu.memref_slice %arg3[%mul3A_2] : memref<640000xi32, #tpu.memory_space<hbm>> -> memref<20000xi32, #tpu.memory_space<hbm>>
    tpu.enqueue_dma source(%dma_start3A_3 : memref<20000xi32, #tpu.memory_space<hbm>>) target(%arg7 : memref<20000xi32, #tpu.memory_space<vmem>>) target_semaphore(%arg11 : memref<!tpu.dma_semaphore, #tpu.memory_space<semaphore_mem>>)
    %dma_start3A_4 = tpu.memref_slice %arg4[%mul3A_2] : memref<640000xi32, #tpu.memory_space<hbm>> -> memref<20000xi32, #tpu.memory_space<hbm>>
    %dma_start3A_5 = tpu.memref_slice %arg4[%mul3A_2] : memref<640000xi32, #tpu.memory_space<hbm>> -> memref<20000xi32, #tpu.memory_space<hbm>>
    tpu.enqueue_dma source(%dma_start3A_5 : memref<20000xi32, #tpu.memory_space<hbm>>) target(%arg8 : memref<20000xi32, #tpu.memory_space<vmem>>) target_semaphore(%arg12 : memref<!tpu.dma_semaphore, #tpu.memory_space<semaphore_mem>>)
    %broadcast_in_dim3A = arith.constant 0.000000e+00 : f32
    %broadcast_in_dim3A_6 = vector.broadcast %broadcast_in_dim3A : f32 to vector<16xf32>
    %parallel_loop3A = arith.constant 0 : i32
    %parallel_loop3A_7 = arith.constant 625 : i32
    %parallel_loop3A_8 = arith.constant 1 : i32
    scf.for %parallel_loop3A_17 = %parallel_loop3A to %parallel_loop3A_7 step %parallel_loop3A_8  : i32 {
      %parallel_loop3A_18 = arith.constant 16 : i32
      %parallel_loop3A_19 = arith.muli %parallel_loop3A_17, %parallel_loop3A_18 : i32
      %parallel_loop3A_20 = arith.index_cast %parallel_loop3A_19 : i32 to index
      %parallel_loop3A_21 = tpu.vector_load %arg9[%parallel_loop3A_20] {strides = array<i32>} : memref<10000xf32, #tpu.memory_space<vmem>>, vector<16xf32>,
      tpu.vector_store %arg9[%parallel_loop3A_20], %broadcast_in_dim3A_6 {strides = array<i32>} : memref<10000xf32, #tpu.memory_space<vmem>>, vector<16xf32>,
    } {sc.loop_unroll_factor = 5 : i64, sc.parallel_access}
    tpu.wait_dma2 semaphore(%arg10 : memref<!tpu.dma_semaphore, #tpu.memory_space<semaphore_mem>>) src(%arg2 : memref<10000xf32, #tpu.memory_space<hbm>>) dst(%arg6 : memref<10000xf32, #tpu.memory_space<vmem>>)
    %dma_wait3A = tpu.memref_slice %arg3[%mul3A_2] : memref<640000xi32, #tpu.memory_space<hbm>> -> memref<20000xi32, #tpu.memory_space<hbm>>
    %dma_wait3A_9 = tpu.memref_slice %arg3[%mul3A_2] : memref<640000xi32, #tpu.memory_space<hbm>> -> memref<20000xi32, #tpu.memory_space<hbm>>
    tpu.wait_dma2 semaphore(%arg11 : memref<!tpu.dma_semaphore, #tpu.memory_space<semaphore_mem>>) src(%dma_wait3A_9 : memref<20000xi32, #tpu.memory_space<hbm>>) dst(%arg7 : memref<20000xi32, #tpu.memory_space<vmem>>)
    %dma_wait3A_10 = tpu.memref_slice %arg4[%mul3A_2] : memref<640000xi32, #tpu.memory_space<hbm>> -> memref<20000xi32, #tpu.memory_space<hbm>>
    %dma_wait3A_11 = tpu.memref_slice %arg4[%mul3A_2] : memref<640000xi32, #tpu.memory_space<hbm>> -> memref<20000xi32, #tpu.memory_space<hbm>>
    tpu.wait_dma2 semaphore(%arg12 : memref<!tpu.dma_semaphore, #tpu.memory_space<semaphore_mem>>) src(%dma_wait3A_11 : memref<20000xi32, #tpu.memory_space<hbm>>) dst(%arg8 : memref<20000xi32, #tpu.memory_space<vmem>>)
    %broadcast_in_dim3A_12 = arith.constant 1.000000e+00 : f32
    %broadcast_in_dim3A_13 = vector.broadcast %broadcast_in_dim3A_12 : f32 to vector<16xf32>
    %parallel_loop3A_14 = arith.constant 0 : i32
    %parallel_loop3A_15 = arith.constant 1250 : i32
    %parallel_loop3A_16 = arith.constant 1 : i32
    scf.for %parallel_loop3A_17 = %parallel_loop3A_14 to %parallel_loop3A_15 step %parallel_loop3A_16  : i32 {
      %parallel_loop3A_18 = arith.constant 16 : i32
      %parallel_loop3A_19 = arith.muli %parallel_loop3A_17, %parallel_loop3A_18 : i32
      %parallel_loop3A_20 = arith.index_cast %parallel_loop3A_19 : i32 to index
      %parallel_loop3A_21 = tpu.vector_load %arg7[%parallel_loop3A_20] {strides = array<i32>} : memref<20000xi32, #tpu.memory_space<vmem>>, vector<16xi32>,
      %parallel_loop3A_22 = arith.constant 16 : i32
      %parallel_loop3A_23 = arith.muli %parallel_loop3A_17, %parallel_loop3A_22 : i32
      %parallel_loop3A_24 = arith.index_cast %parallel_loop3A_23 : i32 to index
      %parallel_loop3A_25 = tpu.vector_load %arg8[%parallel_loop3A_24] {strides = array<i32>} : memref<20000xi32, #tpu.memory_space<vmem>>, vector<16xi32>,
      %parallel_loop3A_26 = tpu.vector_load_idx %arg6[%parallel_loop3A_21] : memref<10000xf32, #tpu.memory_space<vmem>>[vector<16xi32>], vector<16xf32>,
      tpu.vector_store_idx %arg9[%parallel_loop3A_25], %parallel_loop3A_26 {add = true} : memref<10000xf32, #tpu.memory_space<vmem>>[vector<16xi32>], vector<16xf32>,
    } {sc.loop_unroll_factor = 25 : i64, sc.parallel_access}
    "tpu.region"() ({
      %run_scoped3A = tpu.sem_alloc : memref<!tpu.dma_semaphore, #tpu.memory_space<semaphore_mem>>
      %dma_start3A_17 = arith.constant 0 : i32
      %dma_start3A_18 = tpu.memref_slice %arg5[%add3A, %dma_start3A_17] : memref<32x10000xf32, #tpu.memory_space<hbm>> -> memref<1x10000xf32, #tpu.memory_space<hbm>>
      %dma_start3A_19 = tpu.memref_squeeze %dma_start3A_18 : memref<1x10000xf32, #tpu.memory_space<hbm>> -> memref<10000xf32, #tpu.memory_space<hbm>>
      %dma_start3A_20 = arith.constant 0 : i32
      %dma_start3A_21 = tpu.memref_slice %arg5[%add3A, %dma_start3A_20] : memref<32x10000xf32, #tpu.memory_space<hbm>> -> memref<1x10000xf32, #tpu.memory_space<hbm>>
      %dma_start3A_22 = tpu.memref_squeeze %dma_start3A_21 : memref<1x10000xf32, #tpu.memory_space<hbm>> -> memref<10000xf32, #tpu.memory_space<hbm>>
      tpu.enqueue_dma source(%arg9 : memref<10000xf32, #tpu.memory_space<vmem>>) target(%dma_start3A_22 : memref<10000xf32, #tpu.memory_space<hbm>>) target_semaphore(%run_scoped3A : memref<!tpu.dma_semaphore, #tpu.memory_space<semaphore_mem>>)
      %dma_wait3A_23 = arith.constant 0 : i32
      %dma_wait3A_24 = tpu.memref_slice %arg5[%add3A, %dma_wait3A_23] : memref<32x10000xf32, #tpu.memory_space<hbm>> -> memref<1x10000xf32, #tpu.memory_space<hbm>>
      %dma_wait3A_25 = tpu.memref_squeeze %dma_wait3A_24 : memref<1x10000xf32, #tpu.memory_space<hbm>> -> memref<10000xf32, #tpu.memory_space<hbm>>
      %dma_wait3A_26 = arith.constant 0 : i32
      %dma_wait3A_27 = tpu.memref_slice %arg5[%add3A, %dma_wait3A_26] : memref<32x10000xf32, #tpu.memory_space<hbm>> -> memref<1x10000xf32, #tpu.memory_space<hbm>>
      %dma_wait3A_28 = tpu.memref_squeeze %dma_wait3A_27 : memref<1x10000xf32, #tpu.memory_space<hbm>> -> memref<10000xf32, #tpu.memory_space<hbm>>
      tpu.wait_dma2 semaphore(%run_scoped3A : memref<!tpu.dma_semaphore, #tpu.memory_space<semaphore_mem>>) src(%arg9 : memref<10000xf32, #tpu.memory_space<vmem>>) dst(%dma_wait3A_28 : memref<10000xf32, #tpu.memory_space<hbm>>)
      tpu.yield
    }) : () -> ()
    return
  }
}

module attributes {stable_mosaic.version = 14 : i64} {
  func.func @body(%arg0: memref<1x10000xf32, #tpu.memory_space<vmem>>, %arg1: memref<32x10000xf32, #tpu.memory_space<vmem>>, %arg2: memref<32x10000xf32, #tpu.memory_space<vmem>>, %arg3: memref<128x1xf32, #tpu.memory_space<vmem>>, %arg4: memref<128x1xf32, #tpu.memory_space<vmem>>, %arg5: memref<128x1xf32, #tpu.memory_space<vmem>>, %arg6: memref<1x128xf32, #tpu.memory_space<vmem>>, %arg7: memref<1x128xf32, #tpu.memory_space<vmem>>, %arg8: memref<1x10000xf32, #tpu.memory_space<vmem>>, %arg9: memref<1x10000xf32, #tpu.memory_space<vmem>>, %arg10: memref<1x10000xf32, #tpu.memory_space<vmem>>) attributes {dimension_semantics = [], scalar_prefetch = 0 : i64, scratch_operands = 0 : i64, tpu.core_type = #tpu.core_type<tc>} {
    %get3A = arith.constant 0 : index
    %get3A_0 = arith.constant 0 : index
    %get3A_1 = vector.load %arg2[%get3A, %get3A_0] : memref<32x10000xf32, #tpu.memory_space<vmem>>, vector<32x10000xf32>
    %reduce_sum3A = arith.constant dense<0.000000e+00> : vector<10000xf32>
    %reduce_sum3A_2 = vector.multi_reduction <add>, %get3A_1, %reduce_sum3A [0] : vector<32x10000xf32> to vector<10000xf32>
    %broadcast_in_dim3A = vector.shape_cast %reduce_sum3A_2 : vector<10000xf32> to vector<1x10000xf32>
    %max3A = arith.constant 1.000000e+00 : f32
    %max3A_3 = vector.broadcast %max3A : f32 to vector<1x10000xf32>
    %max3A_4 = arith.maximumf %broadcast_in_dim3A, %max3A_3 : vector<1x10000xf32>
    %get3A_5 = arith.constant 0 : index
    %get3A_6 = arith.constant 0 : index
    %get3A_7 = vector.load %arg1[%get3A_5, %get3A_6] : memref<32x10000xf32, #tpu.memory_space<vmem>>, vector<32x10000xf32>
    %reduce_sum3A_8 = arith.constant dense<0.000000e+00> : vector<10000xf32>
    %reduce_sum3A_9 = vector.multi_reduction <add>, %get3A_7, %reduce_sum3A_8 [0] : vector<32x10000xf32> to vector<10000xf32>
    %broadcast_in_dim3A_10 = vector.shape_cast %reduce_sum3A_9 : vector<10000xf32> to vector<1x10000xf32>
    %div3A = arith.divf %broadcast_in_dim3A_10, %max3A_4 : vector<1x10000xf32>
    %get3A_11 = arith.constant 0 : index
    %get3A_12 = arith.constant 0 : index
    %get3A_13 = vector.load %arg3[%get3A_11, %get3A_12] : memref<128x1xf32, #tpu.memory_space<vmem>>, vector<128x1xf32>
    %get3A_14 = arith.constant 0 : index
    %get3A_15 = arith.constant 0 : index
    %get3A_16 = vector.load %arg0[%get3A_14, %get3A_15] : memref<1x10000xf32, #tpu.memory_space<vmem>>, vector<1x10000xf32>
    %mul3A = vector.broadcast %get3A_13 : vector<128x1xf32> to vector<128x10000xf32>
    %mul3A_17 = vector.broadcast %get3A_16 : vector<1x10000xf32> to vector<128x10000xf32>
    %mul3A_18 = arith.mulf %mul3A, %mul3A_17 : vector<128x10000xf32>
    %get3A_19 = arith.constant 0 : index
    %get3A_20 = arith.constant 0 : index
    %get3A_21 = vector.load %arg4[%get3A_19, %get3A_20] : memref<128x1xf32, #tpu.memory_space<vmem>>, vector<128x1xf32>
    %mul3A_22 = vector.broadcast %get3A_21 : vector<128x1xf32> to vector<128x10000xf32>
    %mul3A_23 = vector.broadcast %div3A : vector<1x10000xf32> to vector<128x10000xf32>
    %mul3A_24 = arith.mulf %mul3A_22, %mul3A_23 : vector<128x10000xf32>
    %add3A = arith.addf %mul3A_18, %mul3A_24 : vector<128x10000xf32>
    %get3A_25 = arith.constant 0 : index
    %get3A_26 = arith.constant 0 : index
    %get3A_27 = vector.load %arg5[%get3A_25, %get3A_26] : memref<128x1xf32, #tpu.memory_space<vmem>>, vector<128x1xf32>
    %add3A_28 = vector.broadcast %get3A_27 : vector<128x1xf32> to vector<128x10000xf32>
    %add3A_29 = arith.addf %add3A, %add3A_28 : vector<128x10000xf32>
    %tanh3A = math.tanh %add3A_29 : vector<128x10000xf32>
    %get3A_30 = arith.constant 0 : index
    %get3A_31 = arith.constant 0 : index
    %get3A_32 = vector.load %arg6[%get3A_30, %get3A_31] : memref<1x128xf32, #tpu.memory_space<vmem>>, vector<1x128xf32>
    %dot_general3A = arith.constant dense<0.000000e+00> : vector<1x10000xf32>
    %dot_general3A_33 = tpu.matmul %get3A_32, %tanh3A, %dot_general3A {dimension_numbers = #tpu.dot_dimension_numbers<[1], [0], [0], [1], [0, 0, 1, 1], [], []>, transpose_lhs_hint = false} : vector<1x128xf32>, vector<128x10000xf32>, vector<1x10000xf32> -> vector<1x10000xf32>
    %swap3A = arith.constant 0 : index
    %swap3A_34 = arith.constant 0 : index
    %swap3A_35 = vector.load %arg8[%swap3A, %swap3A_34] : memref<1x10000xf32, #tpu.memory_space<vmem>>, vector<1x10000xf32>
    tpu.vector_store %arg8[%swap3A, %swap3A_34], %dot_general3A_33 {strides = array<i32>} : memref<1x10000xf32, #tpu.memory_space<vmem>>, vector<1x10000xf32>,
    %get3A_36 = arith.constant 0 : index
    %get3A_37 = arith.constant 0 : index
    %get3A_38 = vector.load %arg7[%get3A_36, %get3A_37] : memref<1x128xf32, #tpu.memory_space<vmem>>, vector<1x128xf32>
    %dot_general3A_39 = arith.constant dense<0.000000e+00> : vector<1x10000xf32>
    %dot_general3A_40 = tpu.matmul %get3A_38, %tanh3A, %dot_general3A_39 {dimension_numbers = #tpu.dot_dimension_numbers<[1], [0], [0], [1], [0, 0, 1, 1], [], []>, transpose_lhs_hint = false} : vector<1x128xf32>, vector<128x10000xf32>, vector<1x10000xf32> -> vector<1x10000xf32>
    %swap3A_41 = arith.constant 0 : index
    %swap3A_42 = arith.constant 0 : index
    %swap3A_43 = vector.load %arg9[%swap3A_41, %swap3A_42] : memref<1x10000xf32, #tpu.memory_space<vmem>>, vector<1x10000xf32>
    tpu.vector_store %arg9[%swap3A_41, %swap3A_42], %dot_general3A_40 {strides = array<i32>} : memref<1x10000xf32, #tpu.memory_space<vmem>>, vector<1x10000xf32>,
    %swap3A_44 = arith.constant 0 : index
    %swap3A_45 = arith.constant 0 : index
    %swap3A_46 = vector.load %arg10[%swap3A_44, %swap3A_45] : memref<1x10000xf32, #tpu.memory_space<vmem>>, vector<1x10000xf32>
    tpu.vector_store %arg10[%swap3A_44, %swap3A_45], %max3A_4 {strides = array<i32>} : memref<1x10000xf32, #tpu.memory_space<vmem>>, vector<1x10000xf32>,
    return
  }
}

module attributes {stable_mosaic.version = 14 : i64} {
  func.func @body(%arg0: i32, %arg1: memref<1x1x200xf32, #tpu.memory_space<vmem>>, %arg2: memref<1x32x200xf32, #tpu.memory_space<vmem>>, %arg3: memref<1x1x200xf32, #tpu.memory_space<vmem>>, %arg4: memref<1x1xf32, #tpu.memory_space<smem>>, %arg5: memref<200x10000xf32, #tpu.memory_space<vmem>>, %arg6: memref<1x10000xf32, #tpu.memory_space<vmem>>, %arg7: memref<1x1x200xf32, #tpu.memory_space<vmem>>, %arg8: memref<1x10000xf32, #tpu.memory_space<vmem>>) attributes {dimension_semantics = [#tpu.dimension_semantics<arbitrary>], iteration_bounds = array<i64: 50>, scalar_prefetch = 0 : i64, scratch_operands = 0 : i64, tpu.core_type = #tpu.core_type<tc>, window_params = [{transform_indices = @transform_0, window_bounds = array<i64: 1, 1, 200>}, {transform_indices = @transform_1, window_bounds = array<i64: 1, 32, 200>}, {transform_indices = @transform_2, window_bounds = array<i64: 1, 1, 200>}, {transform_indices = @transform_3, window_bounds = array<i64: 1, 1>}, {transform_indices = @transform_4, window_bounds = array<i64: 200, 10000>}, {pipeline_mode = #tpu.pipeline_mode<synchronous>, transform_indices = @transform_5, window_bounds = array<i64: 1, 10000>}, {transform_indices = @transform_6, window_bounds = array<i64: 1, 1, 200>}, {pipeline_mode = #tpu.pipeline_mode<synchronous>, transform_indices = @transform_7, window_bounds = array<i64: 1, 10000>}]} {
    %get3A = arith.constant 0 : index
    %get3A_0 = arith.constant 0 : index
    %get3A_1 = arith.constant 0 : index
    %get3A_2 = vector.load %arg2[%get3A, %get3A_0, %get3A_1] : memref<1x32x200xf32, #tpu.memory_space<vmem>>, vector<1x32x200xf32>
    %reshape3A = vector.shape_cast %get3A_2 : vector<1x32x200xf32> to vector<32x200xf32>
    %reduce_sum3A = arith.constant dense<0.000000e+00> : vector<200xf32>
    %reduce_sum3A_3 = vector.multi_reduction <add>, %reshape3A, %reduce_sum3A [0] : vector<32x200xf32> to vector<200xf32>
    %broadcast_in_dim3A = vector.shape_cast %reduce_sum3A_3 : vector<200xf32> to vector<1x200xf32>
    %get3A_4 = arith.constant 0 : index
    %get3A_5 = arith.constant 0 : index
    %get3A_6 = arith.constant 0 : index
    %get3A_7 = vector.load %arg3[%get3A_4, %get3A_5, %get3A_6] : memref<1x1x200xf32, #tpu.memory_space<vmem>>, vector<1x1x200xf32>
    %reshape3A_8 = vector.shape_cast %get3A_7 : vector<1x1x200xf32> to vector<1x200xf32>
    %div3A = arith.divf %broadcast_in_dim3A, %reshape3A_8 : vector<1x200xf32>
    %get3A_9 = arith.constant 0 : index
    %get3A_10 = arith.constant 0 : index
    %get3A_11 = arith.constant 0 : index
    %get3A_12 = vector.load %arg1[%get3A_9, %get3A_10, %get3A_11] : memref<1x1x200xf32, #tpu.memory_space<vmem>>, vector<1x1x200xf32>
    %reshape3A_13 = vector.shape_cast %get3A_12 : vector<1x1x200xf32> to vector<1x200xf32>
    %add3A = arith.addf %reshape3A_13, %div3A : vector<1x200xf32>
    %get3A_14 = arith.constant 0 : index
    %get3A_15 = arith.constant 0 : index
    %get3A_16 = memref.load %arg4[%get3A_14, %get3A_15] : memref<1x1xf32, #tpu.memory_space<smem>>
    %add3A_17 = vector.broadcast %get3A_16 : f32 to vector<1x200xf32>
    %add3A_18 = arith.addf %add3A, %add3A_17 : vector<1x200xf32>
    %reshape3A_19 = vector.shape_cast %add3A_18 : vector<1x200xf32> to vector<1x1x200xf32>
    %swap3A = arith.constant 0 : index
    %swap3A_20 = arith.constant 0 : index
    %swap3A_21 = arith.constant 0 : index
    %swap3A_22 = vector.load %arg7[%swap3A, %swap3A_20, %swap3A_21] : memref<1x1x200xf32, #tpu.memory_space<vmem>>, vector<1x1x200xf32>
    tpu.vector_store %arg7[%swap3A, %swap3A_20, %swap3A_21], %reshape3A_19 {strides = array<i32>} : memref<1x1x200xf32, #tpu.memory_space<vmem>>, vector<1x1x200xf32>,
    %tanh3A = math.tanh %add3A_18 : vector<1x200xf32>
    %eq3A = arith.constant 0 : i32
    %eq3A_23 = arith.cmpi eq, %arg0, %eq3A : i32
    %convert_element_type3A = arith.extui %eq3A_23 : i1 to i32
    %cond3A = arith.constant 0 : i32
    %cond3A_24 = arith.cmpi ne, %convert_element_type3A, %cond3A : i32
    scf.if %cond3A_24 {
      %get3A_36 = arith.constant 0 : index
      %get3A_37 = arith.constant 0 : index
      %get3A_38 = vector.load %arg6[%get3A_36, %get3A_37] : memref<1x10000xf32, #tpu.memory_space<vmem>>, vector<1x10000xf32>
      %swap3A_39 = arith.constant 0 : index
      %swap3A_40 = arith.constant 0 : index
      %swap3A_41 = vector.load %arg8[%swap3A_39, %swap3A_40] : memref<1x10000xf32, #tpu.memory_space<vmem>>, vector<1x10000xf32>
      tpu.vector_store %arg8[%swap3A_39, %swap3A_40], %get3A_38 {strides = array<i32>} : memref<1x10000xf32, #tpu.memory_space<vmem>>, vector<1x10000xf32>,
    } else {
    }
    %get3A_25 = arith.constant 0 : index
    %get3A_26 = arith.constant 0 : index
    %get3A_27 = vector.load %arg8[%get3A_25, %get3A_26] : memref<1x10000xf32, #tpu.memory_space<vmem>>, vector<1x10000xf32>
    %get3A_28 = arith.constant 0 : index
    %get3A_29 = arith.constant 0 : index
    %get3A_30 = vector.load %arg5[%get3A_28, %get3A_29] : memref<200x10000xf32, #tpu.memory_space<vmem>>, vector<200x10000xf32>
    %dot_general3A = arith.constant dense<0.000000e+00> : vector<1x10000xf32>
    %dot_general3A_31 = tpu.matmul %tanh3A, %get3A_30, %dot_general3A {dimension_numbers = #tpu.dot_dimension_numbers<[1], [0], [0], [1], [0, 0, 1, 1], [], []>, transpose_lhs_hint = false} : vector<1x200xf32>, vector<200x10000xf32>, vector<1x10000xf32> -> vector<1x10000xf32>
    %add3A_32 = arith.addf %get3A_27, %dot_general3A_31 : vector<1x10000xf32>
    %swap3A_33 = arith.constant 0 : index
    %swap3A_34 = arith.constant 0 : index
    %swap3A_35 = vector.load %arg8[%swap3A_33, %swap3A_34] : memref<1x10000xf32, #tpu.memory_space<vmem>>, vector<1x10000xf32>
    tpu.vector_store %arg8[%swap3A_33, %swap3A_34], %add3A_32 {strides = array<i32>} : memref<1x10000xf32, #tpu.memory_space<vmem>>, vector<1x10000xf32>,
    return
  }
  func.func @transform_0(%arg0: i32) -> (i32, i32, i32) {
    %c0_i32 = arith.constant 0 : i32
    %c0_i32_0 = arith.constant 0 : i32
    %c0_i32_1 = arith.constant 0 : i32
    return %arg0, %c0_i32, %c0_i32_0 : i32, i32, i32
  }
  func.func @transform_1(%arg0: i32) -> (i32, i32, i32) {
    %c0_i32 = arith.constant 0 : i32
    %c0_i32_0 = arith.constant 0 : i32
    %c0_i32_1 = arith.constant 0 : i32
    return %arg0, %c0_i32, %c0_i32_0 : i32, i32, i32
  }
  func.func @transform_2(%arg0: i32) -> (i32, i32, i32) {
    %c0_i32 = arith.constant 0 : i32
    %c0_i32_0 = arith.constant 0 : i32
    %c0_i32_1 = arith.constant 0 : i32
    return %arg0, %c0_i32, %c0_i32_0 : i32, i32, i32
  }
  func.func @transform_3(%arg0: i32) -> (i32, i32) {
    %c0_i32 = arith.constant 0 : i32
    %c0_i32_0 = arith.constant 0 : i32
    %c0_i32_1 = arith.constant 0 : i32
    return %c0_i32, %c0_i32_0 : i32, i32
  }
  func.func @transform_4(%arg0: i32) -> (i32, i32) {
    %c0_i32 = arith.constant 0 : i32
    %c0_i32_0 = arith.constant 0 : i32
    return %arg0, %c0_i32 : i32, i32
  }
  func.func @transform_5(%arg0: i32) -> (i32, i32) {
    %c0_i32 = arith.constant 0 : i32
    %c0_i32_0 = arith.constant 0 : i32
    %c0_i32_1 = arith.constant 0 : i32
    return %c0_i32, %c0_i32_0 : i32, i32
  }
  func.func @transform_6(%arg0: i32) -> (i32, i32, i32) {
    %c0_i32 = arith.constant 0 : i32
    %c0_i32_0 = arith.constant 0 : i32
    %c0_i32_1 = arith.constant 0 : i32
    return %arg0, %c0_i32, %c0_i32_0 : i32, i32, i32
  }
  func.func @transform_7(%arg0: i32) -> (i32, i32) {
    %c0_i32 = arith.constant 0 : i32
    %c0_i32_0 = arith.constant 0 : i32
    %c0_i32_1 = arith.constant 0 : i32
    return %c0_i32, %c0_i32_0 : i32, i32
  }
}

</mosaic_0001>

<sc_bundles>
// kernel: kernel.6.cloned.1.call-start
scs
__scs_entry_jumppad:
0x0: {  	(pc) =	sbr.rel $0x88, $3  }
0x1: {  	(tag) =	ssettag $0x0;
	lr =	simm.s32 $0x1  }
0x2: {  	[smem:$0x3F97] =	sst lr;
	_ =	strace $0xD0000000  }
0x3: {  	_ = 	snop  }
0x4: {  	_ = 	snop  }
0x5: {  	_ = 	snop  }
0x6: {  	_ = 	snop  }
0x7: {  	_ = 	snop  }
__scs_overlays_trampoline_lowered:
0x8: {  	[smem:$0x3FA6] =	sst s0  }
0x9: {  	[smem:$0x3FA7] =	sst s1  }
0xa: {  	[smem:$0x3FA8] =	sst s2  }
0xb: {  	[smem:$0x3FA9] =	sst s3  }
0xc: {  	[smem:$0x3FAA] =	sst s4  }
0xd: {  	[smem:$0x3FAB] =	sst s5  }
0xe: {  	[smem:$0x3FAC] =	sst s6  }
0xf: {  	[smem:$0x3FAD] =	sst s7  }
0x10: {  	[smem:$0x3FAE] =	sst s8  }
0x11: {  	[smem:$0x3FAF] =	sst s9;
	s0 =	simm.s32 @!p0 $0x0  }
0x12: {  	s1 =	sld [smem:$0x3F95];
	s0 =	simm.s32 @p0 $0x1  }
0x13: {  	[smem:$0x3FB0] =	sst s0;
	s0 =	simm.s32 @!p1 $0x0  }
0x14: {  	s2 =	sld [smem:$0x3F94];
	s0 =	simm.s32 @p1 $0x1  }
0x15: {  	[smem:$0x3FB1] =	sst s0;
	s0 =	simm.s32 @!p2 $0x0  }
0x16: {  	s3 =	sld [smem:$0x3FDB];
	s0 =	simm.s32 @p2 $0x1  }
0x17: {  	s4 =	simm.s32 $0x1BF5;
	[smem:$0x3FB3] =	sst s0  }
0x18: {  	s0 =	sld [smem:$0x3F96];
	_ =	swait.ge [sflag:s4], $0x0  }
0x19: {  	s7 =	sld [smem:$0x3F97]  }
0x1a: {  	s8 =	sadd.s32 $0xFFFFE003, lr  }
0x1b: {  	s9 =	sadd.s32 $0xFFFFFEF7, lr;
	s5 =	simm.s32 $0xFFFFFFFF;
	p2 =	slt.u32 s8, $0xFFFFF086  }
0x1c: {  	p1 =	slt.u32 s9, $0xF7A;
	s5 =	simm.s32 @!p2 $0x0  }
0x1d: {  	s5 =	simm.s32 @p1 $0x1;
	p0 =	seq.s32 s7, s2  }
0x1e: {  	s7 =	smul.u32 @!p0 $0xF7A, s2;
	p2 =	seq.s32 @!p0 s5, $0x0  }
0x1f: {  	s9 =	smul.u32 $0xF7A, s1;
	s8 =	simm.s32 @!p0 $0x1BF5;
	p2 =	por !p2, p0  }
0x20: {  	[sflag:s8] =	ssyncset.s32 @!p0 $0xFFFFF086;
	s6 =	sadd.s32 @!p0 s3, s7;
	s7 =	simm.s32 @!p0 $0x108  }
0x21: {  	s3 =	sadd.s32 s3, s9;
	s6 =	sadd.s32 @!p0 $0x88, s6;
	s7 =	simm.s32 @p2 $0x1082  }
0x22: {  	[simem:s7], [sflag:s8] =	dma.local @!p0 [hbm:s6], $0xF7A  }
0x23: {  	s9 =	sor.u32 $0xD0000000, s2;
	s6 =	simm.s32 $0x108;
	_ =	swait.ge @!p0 [sflag:s8], $0x0  }
0x24: {  	s3 =	sadd.s32 $0x88, s3;
	s6 =	simm.s32 @!p1 $0x1082;
	[sflag:s4] =	ssyncset.s32 $0xFFFFF086  }
0x25: {  	[simem:s6], [sflag:s4] =	dma.local [hbm:s3], $0xF7A  }
0x26: {  	[smem:$0x3F97] =	sst s1;
	(tag) =	ssettag s2;
	_ =	strace s9  }
0x27: {  	s1 =	sld [smem:$0x3FA7]  }
0x28: {  	s2 =	sld [smem:$0x3FA8]  }
0x29: {  	s4 =	sld [smem:$0x3FAA]  }
0x2a: {  	p0 =	seq.s32 s5, $0x0;
	s5 =	sld [smem:$0x3FAB]  }
0x2b: {  	s6 =	sld [smem:$0x3FAC]  }
0x2c: {  	s7 =	sld [smem:$0x3FAD]  }
0x2d: {  	s3 =	simm.s32 $0x108;
	s8 =	sld [smem:$0x3FAE]  }
0x2e: {  	s3 =	simm.s32 @!p0 $0x1082;
	s9 =	sld [smem:$0x3FAF]  }
0x2f: {  	lr =	sadd.s32 s0, s3;
	s0 =	sld [smem:$0x3FA6]  }
0x30: {  	s3 =	sld [smem:$0x3FA9]  }
0x31: {  	[smem:$0x3FB2] =	sst s10  }
0x32: {  	s10 =	sld [smem:$0x3FB0];
	_ =	sdelay $0x3  }
0x33: {  	p0 =	seq.s32 s10, $0x1;
	s10 =	sld [smem:$0x3FB2];
	_ =	sdelay $0x3  }
0x34: {  	[smem:$0x3FB2] =	sst s10  }
0x35: {  	s10 =	sld [smem:$0x3FB1];
	_ =	sdelay $0x3  }
0x36: {  	p1 =	seq.s32 s10, $0x1;
	s10 =	sld [smem:$0x3FB2];
	_ =	sdelay $0x3  }
0x37: {  	[smem:$0x3FB2] =	sst s10  }
0x38: {  	s10 =	sld [smem:$0x3FB3]  }
0x39: {  	_ = 	snop;
	(pc) =	sbr.ind lr, $3  }
0x3a: {  	_ = 	snop  }
0x3b: {  	_ = 	snop  }
0x3c: {  	p2 =	seq.s32 s10, $0x1;
	s10 =	sld [smem:$0x3FB2]  }
0x3d: {  	_ =	shalt  }
0x3e: {  	_ =	shalt  }
0x3f: {  	_ =	shalt  }
0x40: {  	_ =	shalt  }
0x41: {  	_ =	shalt  }
0x42: {  	_ =	shalt  }
0x43: {  	_ =	shalt  }
0x44: {  	_ =	shalt  }
0x45: {  	_ =	shalt  }
0x46: {  	_ =	shalt  }
0x47: {  	_ =	shalt  }
0x48: {  	_ =	shalt  }
0x49: {  	_ =	shalt  }
0x4a: {  	_ =	shalt  }
0x4b: {  	_ =	shalt  }
0x4c: {  	_ =	shalt  }
0x4d: {  	_ =	shalt  }
0x4e: {  	_ =	shalt  }
0x4f: {  	_ =	shalt  }
0x50: {  	_ =	shalt  }
0x51: {  	_ =	shalt  }
0x52: {  	_ =	shalt  }
0x53: {  	_ =	shalt  }
0x54: {  	_ =	shalt  }
0x55: {  	_ =	shalt  }
0x56: {  	_ =	shalt  }
0x57: {  	_ =	shalt  }
0x58: {  	_ =	shalt  }
0x59: {  	_ =	shalt  }
0x5a: {  	_ =	shalt  }
0x5b: {  	_ =	shalt  }
0x5c: {  	_ =	shalt  }
0x5d: {  	_ =	shalt  }
0x5e: {  	_ =	shalt  }
0x5f: {  	_ =	shalt  }
0x60: {  	_ =	shalt  }
0x61: {  	_ =	shalt  }
0x62: {  	_ =	shalt  }
0x63: {  	_ =	shalt  }
0x64: {  	_ =	shalt  }
0x65: {  	_ =	shalt  }
0x66: {  	_ =	shalt  }
0x67: {  	_ =	shalt  }
0x68: {  	_ =	shalt  }
0x69: {  	_ =	shalt  }
0x6a: {  	_ =	shalt  }
0x6b: {  	_ =	shalt  }
0x6c: {  	_ =	shalt  }
0x6d: {  	_ =	shalt  }
0x6e: {  	_ =	shalt  }
0x6f: {  	_ =	shalt  }
0x70: {  	_ =	shalt  }
0x71: {  	_ =	shalt  }
0x72: {  	_ =	shalt  }
0x73: {  	_ =	shalt  }
0x74: {  	_ =	shalt  }
0x75: {  	_ =	shalt  }
0x76: {  	_ =	shalt  }
0x77: {  	_ =	shalt  }
0x78: {  	_ =	shalt  }
0x79: {  	_ =	shalt  }
0x7a: {  	_ =	shalt  }
0x7b: {  	_ =	shalt  }
0x7c: {  	_ =	shalt  }
0x7d: {  	_ =	shalt  }
0x7e: {  	_ =	shalt  }
0x7f: {  	_ =	shalt  }
0x80: {  	_ =	shalt  }
0x81: {  	_ =	shalt  }
0x82: {  	_ =	shalt  }
0x83: {  	_ =	shalt  }
0x84: {  	_ =	shalt  }
0x85: {  	_ =	shalt  }
0x86: {  	_ =	shalt  }
0x87: {  	_ =	shalt  }
.Lfunc_end0:
.L_simem_size_0:
called_computation_lowered:
.L_overlay_start_0:
0x88: {  	s2 =	sld [smem:$0x3FD9]  }
0x89: {  	s3 =	sld [smem:$0x3FFE];
	_ =	sdelay $0x1  }
0x8a: {  	s1 =	srdreg.scid  }
0x8b: {  	s0 =	sand.u32 $0x1, s1  }
0x8c: {  	s16 =	sshll.u32 s0, $0xA;
	s2 =	sadd.s32 s3, s2  }
0x8d: {  	s2 =	sadd.s32 s2, s16  }
0x8e: {  	[smem:$0x3FBE] =	sst s2  }
0x8f: {  	_ = 	snop  }
0x90: {  	(tm) =	ssettm $0x1  }
0x91: {  	s17 =	sld [smem:$0x3FFB];
	_ =	sdelay $0x3  }
0x92: {  	_ =	strace s17  }
0x93: {  	s2 =	sld [smem:$0x3FFC];
	_ =	sdelay $0x3  }
0x94: {  	_ =	strace s2  }
0x95: {  	s2 =	sld [smem:$0x3FFD];
	_ =	sdelay $0x3  }
0x96: {  	_ =	strace s2  }
0x97: {  	_ =	strace $0x8FFFFFFF  }
0x98: {  	s18 =	sld [smem:$0x3FDB];
	_ =	sdelay $0x1  }
0x99: {  	s19 =	simm.s32 $_scs_section_size  }
0x9a: {  	s4 =	simm.s32 $_size__tile_overlayer_lowered;
	s5 =	simm.s32 $_tile_overlayer_lowered  }
0x9b: {  	s22 =	simm.s32 $0x1BFF;
	s21 =	sshll.u32 s5, $0x1;
	s2 =	sadd.s32 s19, s18  }
0x9c: {  	s6 =	simm.s32 $0x0;
	s20 =	sshll.u32 s4, $0x1;
	s4 =	sadd.s32 s21, s2  }
0x9d: {  	[timem:s6], [sflag:s22] =	dma.local [hbm:s4], s20  }
0x9e: {  	_ =	swait.ge [sflag:s22], s20  }
0x9f: {  	s3 =	ssub.s32 $0x0, s20;
	[sflag:s22] =	ssyncset.done $0x0  }
0xa0: {  	[sflag:s22] =	ssyncadd.s32 s3;
	_ =	sdelay $0x1  }
0xa1: {  	s23 =	simm.s32 $0x1B8B  }
0xa2: {  	_ =	swait.ge [sflag:s23], $0x1  }
0xa3: {  	[sflag:s23] =	ssyncset.done $0x0  }
0xa4: {  	s25 =	simm.s32 $0x1B8E;
	s24 =	sld [smem:$0x3FFE];
	[sflag:s23] =	ssyncadd.s32 $0xFFFFFFFF  }
0xa5: {  	s26 =	simm.s32 $execute0_lowered;
	[smem:$0x3FD2] =	sst s25  }
0xa6: {  	s4 =	sshll.u32 s26, $0x1;
	_ =	strace $0x80000046;
	[dreg:$0x1] =	wrdreg $0xFFFFFFFF  }
0xa7: {  	s28 =	simm.s32 $_size_execute0_lowered;
	s2 =	sadd.s32 s2, s4;
	[dreg:$0x0] =	wrdreg $0x0  }
0xa8: {  	s4 =	sshll.u32 s28, $0x1;
	[dreg:$0x2] =	wrdreg s2  }
0xa9: {  	[dreg:$0x3] =	wrdreg s4  }
0xaa: {  	[dreg:$0x4] =	wrdreg $0xC0  }
0xab: {  	_ =	task [dreg:s6], $0x5FFFF  }
0xac: {  	[dreg:$0x1] =	wrdreg $0xFFFFFFFF  }
0xad: {  	[dreg:$0x0] =	wrdreg $0x60  }
0xae: {  	[dreg:$0x2] =	wrdreg s24  }
0xaf: {  	[dreg:$0x3] =	wrdreg $0x9  }
0xb0: {  	_ =	task.clear_ibuf [dreg:s6], $0x4FFFF;
	_ =	strace $0x90000046  }
0xb1: {  	s29 =	simm.s32 $0x9;
	_ =	strace $0x80000048  }
0xb2: {  	_ =	swait.ge [sflag:s29], $0x1  }
0xb3: {  	[sflag:s29] =	ssyncadd.s32 $0xFFFFFFFF  }
0xb4: {  	_ =	strace $0x90000048  }
0xb5: {  	_ =	sfence  }
0xb6: {  	s30 =	sld [smem:$0x0];
	_ =	sdelay $0x2  }
0xb7: {  	s31 =	sshll.u32 s1, $0xD;
	s1 =	sshrl.u32 s1, $0x2  }
0xb8: {  	s3 =	sand.u32 $0x4000, s31;
	s1 =	sadd.s32 s1, s30  }
0xb9: {  	s0 =	sor.u32 s3, s0;
	s1 =	sshll.u32 s1, $0x11  }
0xba: {  	s0 =	sor.u32 s1, s0  }
0xbb: {  	s0 =	sadd.s32 $0x8F2B, s0  }
0xbc: {  	[sflag:s0] =	ssyncadd.remote.s32 $0x1  }
0xbd: {  	_ =	sfence.sel $0xFFFF  }
0xbe: {  	[dreg:$0x0] =	wrdreg $0xFFFFFFFF;
	(pc) =	sbr.abs _section_cstart, $3  }
0xbf: {  	[dreg:$0x1] =	wrdreg $0xFFFFFFFF  }
0xc0: {  	_ =	task.clear_ibuf [dreg:s6], $0x2FFFF;
	_ =	strace $0x9FFFFFFF  }
0xc1: {  	(tm) =	ssettm $0x7FFFFFFF  }
tec
execute0_lowered:
.L_overlay_start_1:
0x0: {  	(tag) =	ssettag $0x1  }
0x1: {  	s4 =	rddreg [dreg:$0x0]  }
0x2: {  	s2 =	srdreg.scid;
	s1 =	stileid.u32  }
0x3: {  	s0 =	rddreg [dreg:$0x1];
	s10 =	simm.s32 $0x7600;
	s11 =	simm.s32 $0x1  }
0x4: {  	s12 =	simm.s32 $0x2;
	s13 =	simm.s32 $0x3;
	s14 =	simm.s32 $0xC480  }
0x5: {  	s15 =	simm.s32 $0xEC00;
	s16 =	simm.s32 $0x80;
	s17 =	simm.s32 $0x400  }
0x6: {  	s18 =	simm.s32 $0x4;
	s19 =	simm.s32 $0x0;
	s5 =	sand.u32 $0x1, s2  }
0x7: {  	s3 =	sshll.u32 s1, $0x1;
	s2 =	simm.s32 $0x0;
	s6 =	sshrl.u32 s1, $0x2  }
0x8: {  	s3 =	sor.u32 s5, s3;
	[smem:$0x7FF] =	sst s2;
	s6 =	smul.u32 $0x13C00, s6  }
0x9: {  	s5 =	ssub.s32 $0x2, s5;
	s7 =	sshll.u32 s3, $0x7;
	s8 =	smul.u32 $0x9C4, s3  }
0xa: {  	_ =	strace $0x80000047;
	s3 =	sadd.s32 $0x27C00, s4;
	s7 =	sand.u32 $0x380, s7  }
0xb: {  	s31 =	sshrl.u32 s5, $0x1;
	s6 =	sor.u32 s6, s7;
	s30 =	sadd.s32 s8, s4  }
0xc: {  	s8 =	ssub.s32 s5, s31;
	s6 =	sshrl.u32 s6, $0x3;
	s5 =	sadd.s32 $0x800, s30  }
0xd: {  	s8 =	smax.u32 s8, $0x1;
	s9 =	sadd.s32 s6, s4;
	s4 =	sadd.s32 $0x14200, s30  }
0xe: {  	v0 =	vimm.f32 $0.0e+00;
	v1 =	vimm.f32 $1.000000000e+00;
	s6 =	sadd.s32 $0x28200, s9;
	s7 =	sadd.s32 $0x32000, s9;
	s9 =	simm.s32 $0x2780  }
.LBB2_1:
0xf: {  	[tilespmem:s2], [sflag:$0x1] =	stream.linear.gather [hbm4b:s3+s2], $0x2780, $0x38;
	[tilespmem:$0x11380] =	vst v63  }
0x10: {  	_ = 	snop  }
0x11: {  	[tilespmem:s9], [sflag:$0x2] =	stream.linear.gather [hbm4b:s4+s2], $0x4E20, $0x38;
	[tilespmem:$0x11380] =	vst v63  }
0x12: {  	s20 =	simm.s32 $0xC4A0  }
0x13: {  	[tilespmem:s10], [sflag:$0x3] =	stream.linear.gather [hbm4b:s5+s2], $0x4E20, $0x38;
	[tilespmem:$0x11380] =	vst v63  }
0x14: {  	[tilespmem:s20+$0xFFFFFFF0] =	vst v0  }
0x15: {  	[tilespmem:s20+$0xFFFFFFE0] =	vst v0  }
0x16: {  	[tilespmem:s20+$0x0] =	vst v0  }
0x17: {  	[tilespmem:s20+$0x10] =	vst v0  }
0x18: {  	s21 =	simm.s32 $0xEC20;
	[tilespmem:s20+$0x20] =	vst v0  }
0x19: {  	[tilespmem:s21+$0xFFFFFFE0] =	vst v0  }
0x1a: {  	[tilespmem:s21+$0x20] =	vst v0  }
0x1b: {  	[tilespmem:s21+$0x10] =	vst v0  }
0x1c: {  	s22 =	simm.s32 $0x0;
	[tilespmem:s21+$0x0] =	vst v0  }
.LBB2_2:
0x1d: {  	s22 =	sadd.s32 $0x5, s22;
	[tilespmem:s21+$0xFFFFFFF0] =	vst v0;
	s20 =	sadd.s32 $0x50, s20;
	s21 =	sadd.s32 $0x50, s21  }
0x1e: {  	[tilespmem:s20+$0xFFFFFFF0] =	vst v0;
	p0 =	slt.u32 s22, $0x26C  }
0x1f: {  	[tilespmem:s20+$0xFFFFFFE0] =	vst v0  }
0x20: {  	[tilespmem:s21+$0xFFFFFFE0] =	vst v0  }
0x21: {  	[tilespmem:s20+$0x0] =	vst v0  }
.Ltmp0:
0x22: {  	[tilespmem:s20+$0x10] =	vst v0;
	(pc) =	sbr.rel @p0 .LBB2_2-.Ltmp0, $4  }
0x23: {  	[tilespmem:s20+$0x20] =	vst v0  }
0x24: {  	[tilespmem:s21+$0x20] =	vst v0  }
0x25: {  	[tilespmem:s21+$0x10] =	vst v0  }
0x26: {  	[tilespmem:s21+$0x0] =	vst v0  }
0x27: {  	[tilespmem:s21+$0xFFFFFFF0] =	vst v0  }
0x28: {  	_ =	swait.ge [sflag:s11], $0x2780  }
0x29: {  	[sflag:s11] =	ssyncset.done $0x0  }
0x2a: {  	[sflag:s11] =	ssyncadd.s32 $0xFFFFD880  }
0x2b: {  	_ =	swait.ge [sflag:s12], $0x4E20  }
0x2c: {  	[sflag:s12] =	ssyncset.done $0x0  }
0x2d: {  	[sflag:s12] =	ssyncadd.s32 $0xFFFFB1E0  }
0x2e: {  	_ =	swait.ge [sflag:s13], $0x4E20  }
0x2f: {  	[sflag:s13] =	ssyncset.done $0x0  }
0x30: {  	s22 =	simm.s32 $0x2840;
	[sflag:s13] =	ssyncadd.s32 $0xFFFFB1E0  }
0x31: {  	v2 =	vld [tilespmem:s22+$0xB0]  }
0x32: {  	s20 =	simm.s32 $0x0;
	s21 =	simm.s32 $0x76C0;
	v3 =	vld [tilespmem:s22+$0xFFFFFF50]  }
0x33: {  	s23 =	sand.u32 $0x7FF0, s20;
	v4 =	vld [tilespmem:s21+$0xB0]  }
0x34: {  	v5 =	vld [tilespmem:s23+$0x2900]  }
0x35: {  	v6 =	vld [tilespmem:s23+$0x2800]  }
0x36: {  	v7 =	vld [tilespmem:s23+$0x2880]  }
0x37: {  	v8 =	vld [tilespmem:s23+$0x7680]  }
0x38: {  	v9 =	vld [tilespmem:s23+$0x7700]  }
0x39: {  	v10 =	vld [tilespmem:s23+$0x7780]  }
0x3a: {  	v11 =	vld [tilespmem:s22+$0xFFFFFF60]  }
0x3b: {  	v12 =	vld [tilespmem:s22+$0xFFFFFF70]  }
0x3c: {  	v57 =	vld [tilespmem:s22+$0xFFFFFF90]  }
0x3d: {  	v58 =	vld [tilespmem:s22+$0xFFFFFFA0]  }
0x3e: {  	v59 =	vld [tilespmem:s22+$0xFFFFFFB0]  }
0x3f: {  	v60 =	vld [tilespmem:s22+$0xFFFFFFD0]  }
0x40: {  	v61 =	vld [tilespmem:s22+$0xFFFFFFE0]  }
0x41: {  	v62 =	vld [tilespmem:s22+$0xFFFFFFF0]  }
0x42: {  	v63 =	vld [tilespmem:s22+$0x0]  }
0x43: {  	v13 =	vld [tilespmem:s22+$0x10]  }
0x44: {  	v14 =	vld [tilespmem:s22+$0x20]  }
0x45: {  	v15 =	vld [tilespmem:s22+$0x30]  }
0x46: {  	v16 =	vld [tilespmem:s22+$0x50]  }
0x47: {  	v17 =	vld [tilespmem:s22+$0x60]  }
0x48: {  	v18 =	vld [tilespmem:s22+$0x70]  }
0x49: {  	v19 =	vld [tilespmem:s22+$0x80]  }
0x4a: {  	v20 =	vld [tilespmem:s22+$0x90]  }
0x4b: {  	v21 =	vld [tilespmem:s22+$0xA0]  }
0x4c: {  	v22 =	vld [tilespmem:s22+$0xFFFFFF40]  }
0x4d: {  	v23 =	vld [tilespmem:s21+$0xFFFFFF40]  }
0x4e: {  	v24 =	vld [tilespmem:s21+$0xFFFFFF50]  }
0x4f: {  	v25 =	vld [tilespmem:s21+$0xFFFFFF60]  }
0x50: {  	v26 =	vld [tilespmem:s21+$0xFFFFFF70]  }
0x51: {  	v27 =	vld [tilespmem:s21+$0xFFFFFF80]  }
0x52: {  	v28 =	vld [tilespmem:s21+$0xFFFFFF90]  }
0x53: {  	v29 =	vld [tilespmem:s21+$0xFFFFFFA0]  }
0x54: {  	v30 =	vld [tilespmem:s21+$0xFFFFFFB0]  }
0x55: {  	v31 =	vld [tilespmem:s21+$0xFFFFFFD0]  }
0x56: {  	v32 =	vld [tilespmem:s21+$0xFFFFFFE0]  }
0x57: {  	v33 =	vld [tilespmem:s21+$0xFFFFFFF0]  }
0x58: {  	v34 =	vld [tilespmem:s21+$0x0]  }
0x59: {  	v35 =	vld [tilespmem:s21+$0x10]  }
0x5a: {  	v36 =	vld [tilespmem:s21+$0x20]  }
0x5b: {  	v37 =	vld [tilespmem:s21+$0x30]  }
0x5c: {  	v38 =	vld [tilespmem:s21+$0x50]  }
0x5d: {  	v39 =	vld [tilespmem:s21+$0x60]  }
0x5e: {  	v40 =	vld [tilespmem:s21+$0x70]  }
0x5f: {  	v41 =	vld [tilespmem:s21+$0x80]  }
0x60: {  	v42 =	vld [tilespmem:s21+$0x90]  }
0x61: {  	v43 =	vld [tilespmem:s21+$0xA0]  }
0x62: {  	v2 =	vld.idx.msk [tilespmem:v2+s2+$0x0], $0xffff  }
0x63: {  	v5 =	vld.idx.msk [tilespmem:v5+s2+$0x0], $0xffff  }
0x64: {  	v6 =	vld.idx.msk [tilespmem:v6+s2+$0x0], $0xffff  }
0x65: {  	v7 =	vld.idx.msk [tilespmem:v7+s2+$0x0], $0xffff  }
0x66: {  	v3 =	vld.idx.msk [tilespmem:v3+s2+$0x0], $0xffff  }
0x67: {  	v11 =	vld.idx.msk [tilespmem:v11+s2+$0x0], $0xffff  }
0x68: {  	v12 =	vld.idx.msk [tilespmem:v12+s2+$0x0], $0xffff  }
0x69: {  	v22 =	vld.idx.msk [tilespmem:v22+s2+$0x0], $0xffff  }
0x6a: {  	v13 =	vld.idx.msk [tilespmem:v13+s2+$0x0], $0xffff  }
0x6b: {  	v14 =	vld.idx.msk [tilespmem:v14+s2+$0x0], $0xffff  }
0x6c: {  	v15 =	vld.idx.msk [tilespmem:v15+s2+$0x0], $0xffff  }
0x6d: {  	v16 =	vld.idx.msk [tilespmem:v16+s2+$0x0], $0xffff  }
0x6e: {  	v17 =	vld.idx.msk [tilespmem:v17+s2+$0x0], $0xffff  }
0x6f: {  	v18 =	vld.idx.msk [tilespmem:v18+s2+$0x0], $0xffff  }
0x70: {  	v19 =	vld.idx.msk [tilespmem:v19+s2+$0x0], $0xffff  }
0x71: {  	v20 =	vld.idx.msk [tilespmem:v20+s2+$0x0], $0xffff  }
0x72: {  	v21 =	vld.idx.msk [tilespmem:v21+s2+$0x0], $0xffff  }
0x73: {  	[tilespmem:v4+s14+$0x0] =	vst.idx.add.f32.msk $0xffff, v2  }
0x74: {  	[tilespmem:v10+s14+$0x0] =	vst.idx.add.f32.msk $0xffff, v5  }
0x75: {  	[tilespmem:v8+s14+$0x0] =	vst.idx.add.f32.msk $0xffff, v6  }
0x76: {  	[tilespmem:v9+s14+$0x0] =	vst.idx.add.f32.msk $0xffff, v7  }
0x77: {  	v2 =	vld [tilespmem:s22+$0xFFFFFF80]  }
0x78: {  	v5 =	vld.idx.msk [tilespmem:v58+s2+$0x0], $0xffff  }
0x79: {  	v6 =	vld.idx.msk [tilespmem:v59+s2+$0x0], $0xffff  }
0x7a: {  	v7 =	vld.idx.msk [tilespmem:v60+s2+$0x0], $0xffff  }
0x7b: {  	[tilespmem:v23+s14+$0x0] =	vst.idx.add.f32.msk $0xffff, v22  }
0x7c: {  	[tilespmem:v24+s14+$0x0] =	vst.idx.add.f32.msk $0xffff, v3  }
0x7d: {  	[tilespmem:v25+s14+$0x0] =	vst.idx.add.f32.msk $0xffff, v11  }
0x7e: {  	[tilespmem:v26+s14+$0x0] =	vst.idx.add.f32.msk $0xffff, v12  }
0x7f: {  	[tilespmem:v35+s14+$0x0] =	vst.idx.add.f32.msk $0xffff, v13  }
0x80: {  	[tilespmem:v36+s14+$0x0] =	vst.idx.add.f32.msk $0xffff, v14  }
0x81: {  	[tilespmem:v37+s14+$0x0] =	vst.idx.add.f32.msk $0xffff, v15  }
0x82: {  	[tilespmem:v38+s14+$0x0] =	vst.idx.add.f32.msk $0xffff, v16  }
0x83: {  	[tilespmem:v39+s14+$0x0] =	vst.idx.add.f32.msk $0xffff, v17  }
0x84: {  	[tilespmem:v40+s14+$0x0] =	vst.idx.add.f32.msk $0xffff, v18  }
0x85: {  	[tilespmem:v41+s14+$0x0] =	vst.idx.add.f32.msk $0xffff, v19  }
0x86: {  	[tilespmem:v42+s14+$0x0] =	vst.idx.add.f32.msk $0xffff, v20  }
0x87: {  	[tilespmem:v43+s14+$0x0] =	vst.idx.add.f32.msk $0xffff, v21  }
0x88: {  	[tilespmem:v4+s15+$0x0] =	vst.idx.add.f32.msk $0xffff, v1  }
0x89: {  	[tilespmem:v10+s15+$0x0] =	vst.idx.add.f32.msk $0xffff, v1  }
0x8a: {  	[tilespmem:v8+s15+$0x0] =	vst.idx.add.f32.msk $0xffff, v1  }
0x8b: {  	[tilespmem:v9+s15+$0x0] =	vst.idx.add.f32.msk $0xffff, v1  }
0x8c: {  	v4 =	vld.idx.msk [tilespmem:v57+s2+$0x0], $0xffff  }
0x8d: {  	v8 =	vld.idx.msk [tilespmem:v61+s2+$0x0], $0xffff  }
0x8e: {  	v9 =	vld.idx.msk [tilespmem:v62+s2+$0x0], $0xffff  }
0x8f: {  	v10 =	vld.idx.msk [tilespmem:v63+s2+$0x0], $0xffff  }
0x90: {  	[tilespmem:v23+s15+$0x0] =	vst.idx.add.f32.msk $0xffff, v1  }
0x91: {  	[tilespmem:v24+s15+$0x0] =	vst.idx.add.f32.msk $0xffff, v1  }
0x92: {  	[tilespmem:v25+s15+$0x0] =	vst.idx.add.f32.msk $0xffff, v1  }
0x93: {  	[tilespmem:v26+s15+$0x0] =	vst.idx.add.f32.msk $0xffff, v1  }
0x94: {  	[tilespmem:v35+s15+$0x0] =	vst.idx.add.f32.msk $0xffff, v1  }
0x95: {  	[tilespmem:v36+s15+$0x0] =	vst.idx.add.f32.msk $0xffff, v1  }
0x96: {  	[tilespmem:v37+s15+$0x0] =	vst.idx.add.f32.msk $0xffff, v1  }
0x97: {  	[tilespmem:v38+s15+$0x0] =	vst.idx.add.f32.msk $0xffff, v1  }
0x98: {  	[tilespmem:v39+s15+$0x0] =	vst.idx.add.f32.msk $0xffff, v1  }
0x99: {  	[tilespmem:v40+s15+$0x0] =	vst.idx.add.f32.msk $0xffff, v1  }
0x9a: {  	[tilespmem:v41+s15+$0x0] =	vst.idx.add.f32.msk $0xffff, v1  }
0x9b: {  	[tilespmem:v42+s15+$0x0] =	vst.idx.add.f32.msk $0xffff, v1  }
0x9c: {  	[tilespmem:v43+s15+$0x0] =	vst.idx.add.f32.msk $0xffff, v1  }
0x9d: {  	[tilespmem:v29+s14+$0x0] =	vst.idx.add.f32.msk $0xffff, v5  }
0x9e: {  	[tilespmem:v30+s14+$0x0] =	vst.idx.add.f32.msk $0xffff, v6  }
0x9f: {  	[tilespmem:v31+s14+$0x0] =	vst.idx.add.f32.msk $0xffff, v7  }
0xa0: {  	[tilespmem:v28+s14+$0x0] =	vst.idx.add.f32.msk $0xffff, v4  }
0xa1: {  	[tilespmem:v29+s15+$0x0] =	vst.idx.add.f32.msk $0xffff, v1  }
0xa2: {  	[tilespmem:v30+s15+$0x0] =	vst.idx.add.f32.msk $0xffff, v1  }
0xa3: {  	[tilespmem:v31+s15+$0x0] =	vst.idx.add.f32.msk $0xffff, v1  }
0xa4: {  	[tilespmem:v32+s14+$0x0] =	vst.idx.add.f32.msk $0xffff, v8  }
0xa5: {  	[tilespmem:v33+s14+$0x0] =	vst.idx.add.f32.msk $0xffff, v9  }
0xa6: {  	[tilespmem:v34+s14+$0x0] =	vst.idx.add.f32.msk $0xffff, v10  }
0xa7: {  	v2 =	vld.idx.msk [tilespmem:v2+s2+$0x0], $0xffff  }
0xa8: {  	[tilespmem:v28+s15+$0x0] =	vst.idx.add.f32.msk $0xffff, v1  }
0xa9: {  	[tilespmem:v32+s15+$0x0] =	vst.idx.add.f32.msk $0xffff, v1  }
0xaa: {  	[tilespmem:v33+s15+$0x0] =	vst.idx.add.f32.msk $0xffff, v1  }
0xab: {  	[tilespmem:v34+s15+$0x0] =	vst.idx.add.f32.msk $0xffff, v1  }
0xac: {  	[tilespmem:v27+s14+$0x0] =	vst.idx.add.f32.msk $0xffff, v2  }
0xad: {  	s23 =	simm.s32 $0x29D0;
	s22 =	simm.s32 $0x0;
	[tilespmem:v27+s15+$0x0] =	vst.idx.add.f32.msk $0xffff, v1  }
.LBB2_4:
0xae: {  	v2 =	vld [tilespmem:s23+$0xB0]  }
0xaf: {  	s20 =	sadd.s32 $0x190, s20;
	s21 =	sadd.s32 $0x190, s21;
	v3 =	vld [tilespmem:s23+$0xFFFFFF50]  }
0xb0: {  	s24 =	sand.u32 $0x7FF0, s20;
	v4 =	vld [tilespmem:s21+$0xB0]  }
0xb1: {  	s22 =	sadd.s32 $0x19, s22;
	v5 =	vld [tilespmem:s24+$0x2900]  }
0xb2: {  	p0 =	slt.u32 s22, $0x4C9;
	v6 =	vld [tilespmem:s24+$0x2800]  }
0xb3: {  	v7 =	vld [tilespmem:s24+$0x2880]  }
0xb4: {  	v8 =	vld [tilespmem:s24+$0x7680]  }
0xb5: {  	v9 =	vld [tilespmem:s24+$0x7700]  }
0xb6: {  	v2 =	vld.idx.msk [tilespmem:v2+s2+$0x0], $0xffff  }
0xb7: {  	v10 =	vld [tilespmem:s24+$0x7780]  }
0xb8: {  	v11 =	vld [tilespmem:s23+$0xFFFFFF60]  }
0xb9: {  	v5 =	vld.idx.msk [tilespmem:v5+s2+$0x0], $0xffff  }
0xba: {  	v6 =	vld.idx.msk [tilespmem:v6+s2+$0x0], $0xffff  }
0xbb: {  	v7 =	vld.idx.msk [tilespmem:v7+s2+$0x0], $0xffff  }
0xbc: {  	v12 =	vld [tilespmem:s23+$0xFFFFFF70]  }
0xbd: {  	[tilespmem:v4+s14+$0x0] =	vst.idx.add.f32.msk $0xffff, v2  }
0xbe: {  	[tilespmem:v4+s15+$0x0] =	vst.idx.add.f32.msk $0xffff, v1  }
0xbf: {  	[tilespmem:v10+s14+$0x0] =	vst.idx.add.f32.msk $0xffff, v5  }
0xc0: {  	[tilespmem:v10+s15+$0x0] =	vst.idx.add.f32.msk $0xffff, v1  }
0xc1: {  	[tilespmem:v8+s14+$0x0] =	vst.idx.add.f32.msk $0xffff, v6  }
0xc2: {  	[tilespmem:v8+s15+$0x0] =	vst.idx.add.f32.msk $0xffff, v1  }
0xc3: {  	[tilespmem:v9+s14+$0x0] =	vst.idx.add.f32.msk $0xffff, v7  }
0xc4: {  	[tilespmem:v9+s15+$0x0] =	vst.idx.add.f32.msk $0xffff, v1  }
0xc5: {  	v2 =	vld [tilespmem:s23+$0xFFFFFF80]  }
0xc6: {  	v4 =	vld [tilespmem:s23+$0xFFFFFF90]  }
0xc7: {  	v5 =	vld [tilespmem:s23+$0xFFFFFFA0]  }
0xc8: {  	v6 =	vld [tilespmem:s23+$0xFFFFFFB0]  }
0xc9: {  	v7 =	vld [tilespmem:s23+$0xFFFFFFD0]  }
0xca: {  	v8 =	vld [tilespmem:s23+$0xFFFFFFE0]  }
0xcb: {  	v9 =	vld [tilespmem:s23+$0xFFFFFFF0]  }
0xcc: {  	v10 =	vld [tilespmem:s23+$0x0]  }
0xcd: {  	v13 =	vld [tilespmem:s23+$0x10]  }
0xce: {  	v14 =	vld [tilespmem:s23+$0x20]  }
0xcf: {  	v15 =	vld [tilespmem:s23+$0x30]  }
0xd0: {  	v16 =	vld [tilespmem:s23+$0x50]  }
0xd1: {  	v17 =	vld [tilespmem:s23+$0x60]  }
0xd2: {  	v18 =	vld [tilespmem:s23+$0x70]  }
0xd3: {  	v19 =	vld [tilespmem:s23+$0x80]  }
0xd4: {  	v20 =	vld [tilespmem:s23+$0x90]  }
0xd5: {  	v21 =	vld [tilespmem:s23+$0xA0]  }
0xd6: {  	v22 =	vld [tilespmem:s23+$0xFFFFFF40]  }
0xd7: {  	v3 =	vld.idx.msk [tilespmem:v3+s2+$0x0], $0xffff  }
0xd8: {  	v11 =	vld.idx.msk [tilespmem:v11+s2+$0x0], $0xffff  }
0xd9: {  	v12 =	vld.idx.msk [tilespmem:v12+s2+$0x0], $0xffff  }
0xda: {  	v2 =	vld.idx.msk [tilespmem:v2+s2+$0x0], $0xffff  }
0xdb: {  	v4 =	vld.idx.msk [tilespmem:v4+s2+$0x0], $0xffff  }
0xdc: {  	v5 =	vld.idx.msk [tilespmem:v5+s2+$0x0], $0xffff  }
0xdd: {  	v6 =	vld.idx.msk [tilespmem:v6+s2+$0x0], $0xffff  }
0xde: {  	v22 =	vld.idx.msk [tilespmem:v22+s2+$0x0], $0xffff  }
0xdf: {  	v7 =	vld.idx.msk [tilespmem:v7+s2+$0x0], $0xffff  }
0xe0: {  	v8 =	vld.idx.msk [tilespmem:v8+s2+$0x0], $0xffff  }
0xe1: {  	v9 =	vld.idx.msk [tilespmem:v9+s2+$0x0], $0xffff  }
0xe2: {  	v10 =	vld.idx.msk [tilespmem:v10+s2+$0x0], $0xffff  }
0xe3: {  	v13 =	vld.idx.msk [tilespmem:v13+s2+$0x0], $0xffff  }
0xe4: {  	v14 =	vld.idx.msk [tilespmem:v14+s2+$0x0], $0xffff  }
0xe5: {  	v15 =	vld.idx.msk [tilespmem:v15+s2+$0x0], $0xffff  }
0xe6: {  	v16 =	vld.idx.msk [tilespmem:v16+s2+$0x0], $0xffff  }
0xe7: {  	v17 =	vld.idx.msk [tilespmem:v17+s2+$0x0], $0xffff  }
0xe8: {  	v18 =	vld.idx.msk [tilespmem:v18+s2+$0x0], $0xffff  }
0xe9: {  	v19 =	vld.idx.msk [tilespmem:v19+s2+$0x0], $0xffff  }
0xea: {  	v20 =	vld.idx.msk [tilespmem:v20+s2+$0x0], $0xffff  }
0xeb: {  	v21 =	vld.idx.msk [tilespmem:v21+s2+$0x0], $0xffff  }
0xec: {  	v23 =	vld [tilespmem:s21+$0xFFFFFF40]  }
0xed: {  	v24 =	vld [tilespmem:s21+$0xFFFFFF50]  }
0xee: {  	v25 =	vld [tilespmem:s21+$0xFFFFFF60]  }
0xef: {  	v26 =	vld [tilespmem:s21+$0xFFFFFF70]  }
0xf0: {  	v27 =	vld [tilespmem:s21+$0xFFFFFF80]  }
0xf1: {  	v28 =	vld [tilespmem:s21+$0xFFFFFF90]  }
0xf2: {  	v29 =	vld [tilespmem:s21+$0xFFFFFFA0]  }
0xf3: {  	v30 =	vld [tilespmem:s21+$0xFFFFFFB0]  }
0xf4: {  	v31 =	vld [tilespmem:s21+$0xFFFFFFD0]  }
0xf5: {  	v32 =	vld [tilespmem:s21+$0xFFFFFFE0]  }
0xf6: {  	v33 =	vld [tilespmem:s21+$0xFFFFFFF0]  }
0xf7: {  	v34 =	vld [tilespmem:s21+$0x0]  }
0xf8: {  	v35 =	vld [tilespmem:s21+$0x10]  }
0xf9: {  	v36 =	vld [tilespmem:s21+$0x20]  }
0xfa: {  	v37 =	vld [tilespmem:s21+$0x30]  }
0xfb: {  	v38 =	vld [tilespmem:s21+$0x50]  }
0xfc: {  	v39 =	vld [tilespmem:s21+$0x60]  }
0xfd: {  	v40 =	vld [tilespmem:s21+$0x70]  }
0xfe: {  	v41 =	vld [tilespmem:s21+$0x80]  }
0xff: {  	v42 =	vld [tilespmem:s21+$0x90]  }
0x100: {  	v43 =	vld [tilespmem:s21+$0xA0]  }
0x101: {  	[tilespmem:v23+s14+$0x0] =	vst.idx.add.f32.msk $0xffff, v22  }
0x102: {  	[tilespmem:v23+s15+$0x0] =	vst.idx.add.f32.msk $0xffff, v1  }
0x103: {  	[tilespmem:v24+s14+$0x0] =	vst.idx.add.f32.msk $0xffff, v3  }
0x104: {  	[tilespmem:v24+s15+$0x0] =	vst.idx.add.f32.msk $0xffff, v1  }
0x105: {  	[tilespmem:v25+s14+$0x0] =	vst.idx.add.f32.msk $0xffff, v11  }
0x106: {  	[tilespmem:v25+s15+$0x0] =	vst.idx.add.f32.msk $0xffff, v1  }
0x107: {  	[tilespmem:v26+s14+$0x0] =	vst.idx.add.f32.msk $0xffff, v12  }
0x108: {  	[tilespmem:v26+s15+$0x0] =	vst.idx.add.f32.msk $0xffff, v1  }
0x109: {  	[tilespmem:v27+s14+$0x0] =	vst.idx.add.f32.msk $0xffff, v2  }
0x10a: {  	[tilespmem:v27+s15+$0x0] =	vst.idx.add.f32.msk $0xffff, v1  }
0x10b: {  	[tilespmem:v28+s14+$0x0] =	vst.idx.add.f32.msk $0xffff, v4  }
0x10c: {  	[tilespmem:v28+s15+$0x0] =	vst.idx.add.f32.msk $0xffff, v1  }
0x10d: {  	[tilespmem:v29+s14+$0x0] =	vst.idx.add.f32.msk $0xffff, v5  }
0x10e: {  	[tilespmem:v29+s15+$0x0] =	vst.idx.add.f32.msk $0xffff, v1  }
0x10f: {  	[tilespmem:v30+s14+$0x0] =	vst.idx.add.f32.msk $0xffff, v6  }
0x110: {  	[tilespmem:v30+s15+$0x0] =	vst.idx.add.f32.msk $0xffff, v1  }
0x111: {  	[tilespmem:v31+s14+$0x0] =	vst.idx.add.f32.msk $0xffff, v7  }
0x112: {  	[tilespmem:v31+s15+$0x0] =	vst.idx.add.f32.msk $0xffff, v1  }
0x113: {  	[tilespmem:v32+s14+$0x0] =	vst.idx.add.f32.msk $0xffff, v8  }
0x114: {  	[tilespmem:v32+s15+$0x0] =	vst.idx.add.f32.msk $0xffff, v1  }
0x115: {  	[tilespmem:v33+s14+$0x0] =	vst.idx.add.f32.msk $0xffff, v9  }
0x116: {  	[tilespmem:v33+s15+$0x0] =	vst.idx.add.f32.msk $0xffff, v1  }
0x117: {  	[tilespmem:v34+s14+$0x0] =	vst.idx.add.f32.msk $0xffff, v10  }
0x118: {  	[tilespmem:v34+s15+$0x0] =	vst.idx.add.f32.msk $0xffff, v1  }
0x119: {  	[tilespmem:v35+s14+$0x0] =	vst.idx.add.f32.msk $0xffff, v13  }
0x11a: {  	[tilespmem:v35+s15+$0x0] =	vst.idx.add.f32.msk $0xffff, v1  }
0x11b: {  	[tilespmem:v36+s14+$0x0] =	vst.idx.add.f32.msk $0xffff, v14  }
0x11c: {  	[tilespmem:v36+s15+$0x0] =	vst.idx.add.f32.msk $0xffff, v1  }
0x11d: {  	[tilespmem:v37+s14+$0x0] =	vst.idx.add.f32.msk $0xffff, v15  }
0x11e: {  	[tilespmem:v37+s15+$0x0] =	vst.idx.add.f32.msk $0xffff, v1  }
0x11f: {  	[tilespmem:v38+s14+$0x0] =	vst.idx.add.f32.msk $0xffff, v16  }
0x120: {  	[tilespmem:v38+s15+$0x0] =	vst.idx.add.f32.msk $0xffff, v1  }
0x121: {  	[tilespmem:v39+s14+$0x0] =	vst.idx.add.f32.msk $0xffff, v17  }
0x122: {  	[tilespmem:v39+s15+$0x0] =	vst.idx.add.f32.msk $0xffff, v1  }
0x123: {  	[tilespmem:v40+s14+$0x0] =	vst.idx.add.f32.msk $0xffff, v18  }
0x124: {  	[tilespmem:v40+s15+$0x0] =	vst.idx.add.f32.msk $0xffff, v1  }
0x125: {  	[tilespmem:v41+s14+$0x0] =	vst.idx.add.f32.msk $0xffff, v19  }
.Ltmp1:
0x126: {  	[tilespmem:v41+s15+$0x0] =	vst.idx.add.f32.msk $0xffff, v1;
	(pc) =	sbr.rel @p0 .LBB2_4-.Ltmp1, $4  }
0x127: {  	[tilespmem:v42+s14+$0x0] =	vst.idx.add.f32.msk $0xffff, v20  }
0x128: {  	[tilespmem:v42+s15+$0x0] =	vst.idx.add.f32.msk $0xffff, v1  }
0x129: {  	[tilespmem:v43+s14+$0x0] =	vst.idx.add.f32.msk $0xffff, v21  }
0x12a: {  	s23 =	sadd.s32 $0x190, s23;
	[tilespmem:v43+s15+$0x0] =	vst.idx.add.f32.msk $0xffff, v1  }
0x12b: {  	[hbm4b:s6+s16] =	stream.strided.scatter [tilespmem:s14], [sflag:$0x4], $0x2780, s17, s16, $0x38;
	[tilespmem:$0x11380] =	vst v63  }
0x12c: {  	s19 =	sadd.s32 $0x1, s19;
	_ =	swait.ge [sflag:s18], $0x2780  }
0x12d: {  	p0 =	sne.s32 s19, s8;
	[sflag:s18] =	ssyncset.done $0x0  }
.Ltmp2:
0x12e: {  	[sflag:s18] =	ssyncadd.s32 $0xFFFFD880;
	(pc) =	sbr.rel @p0 .LBB2_1-.Ltmp2, $4  }
0x12f: {  	[hbm4b:s7+s16] =	stream.strided.scatter [tilespmem:s15], [sflag:$0x4], $0x2780, s17, s16, $0x38;
	[tilespmem:$0x11380] =	vst v63  }
0x130: {  	_ =	swait.ge [sflag:s18], $0x2780  }
0x131: {  	[sflag:s18] =	ssyncset.done $0x0  }
0x132: {  	[sflag:s18] =	ssyncadd.s32 $0xFFFFD880  }
0x133: {  	_ =	sfence.sel $0x180000  }
0x134: {  	[bflag:$0x0] =	sbarrier.arrive $0xFFFF  }
0x135: {  	p0 =	sne.s32 s1, $0x0;
	_ =	strace $0x90000047  }
0x136: {  	s0 =	sadd.s32 @!p0 $0x100000, s0;
	[bflag:$0x2] =	sbarrier.arrive $0xFFFF  }
0x137: {  	[sflag:s0] =	ssyncadd.tile.s32 @!p0 $0x1;
	_ =	shalt  }
.Lfunc_end2:
_tile_overlayer_lowered:
.L_overlay_start_2:
0x138: {  	(tag) =	ssettag $0x2  }
0x139: {  	s0 =	rddreg [dreg:$0x0];
	s2 =	stileid.u32  }
0x13a: {  	s1 =	rddreg [dreg:$0x1];
	p0 =	sne.s32 s2, $0x0  }
0x13b: {  	s3 =	rddreg [dreg:$0x2];
	[bflag:$0x3] =	sbarrier.arrive $0xFFFF;
	s2 =	simm.s32 @!p0 $0x1C04  }
0x13c: {  	[timem:s3], [sflag:s2] =	dma.local @!p0 [hbm:s0], s1  }
0x13d: {  	s0 =	simm.s32 @!p0 $0x4  }
0x13e: {  	_ =	swait.ge @!p0 [sflag:s0], s1  }
0x13f: {  	s1 =	ssub.s32 @!p0 $0x0, s1;
	[sflag:s0] =	ssyncset.done @!p0 $0x0  }
0x140: {  	[sflag:s0] =	ssyncadd.s32 @!p0 s1  }
0x141: {  	[bflag:$0x3] =	sbarrier.arrive $0xFFFF  }
0x142: {  	_ =	shalt  }

// kernel: kernel.9.cloned.1.call-start
scs
__scs_entry_jumppad:
0x0: {  	(pc) =	sbr.rel $0x88, $3  }
0x1: {  	(tag) =	ssettag $0x0;
	lr =	simm.s32 $0x1  }
0x2: {  	[smem:$0x3F97] =	sst lr;
	_ =	strace $0xD0000000  }
0x3: {  	_ = 	snop  }
0x4: {  	_ = 	snop  }
0x5: {  	_ = 	snop  }
0x6: {  	_ = 	snop  }
0x7: {  	_ = 	snop  }
__scs_overlays_trampoline_lowered:
0x8: {  	[smem:$0x3FA6] =	sst s0  }
0x9: {  	[smem:$0x3FA7] =	sst s1  }
0xa: {  	[smem:$0x3FA8] =	sst s2  }
0xb: {  	[smem:$0x3FA9] =	sst s3  }
0xc: {  	[smem:$0x3FAA] =	sst s4  }
0xd: {  	[smem:$0x3FAB] =	sst s5  }
0xe: {  	[smem:$0x3FAC] =	sst s6  }
0xf: {  	[smem:$0x3FAD] =	sst s7  }
0x10: {  	[smem:$0x3FAE] =	sst s8  }
0x11: {  	[smem:$0x3FAF] =	sst s9;
	s0 =	simm.s32 @!p0 $0x0  }
0x12: {  	s1 =	sld [smem:$0x3F95];
	s0 =	simm.s32 @p0 $0x1  }
0x13: {  	[smem:$0x3FB0] =	sst s0;
	s0 =	simm.s32 @!p1 $0x0  }
0x14: {  	s2 =	sld [smem:$0x3F94];
	s0 =	simm.s32 @p1 $0x1  }
0x15: {  	[smem:$0x3FB1] =	sst s0;
	s0 =	simm.s32 @!p2 $0x0  }
0x16: {  	s3 =	sld [smem:$0x3FDB];
	s0 =	simm.s32 @p2 $0x1  }
0x17: {  	s4 =	simm.s32 $0x1BF5;
	[smem:$0x3FB3] =	sst s0  }
0x18: {  	s0 =	sld [smem:$0x3F96];
	_ =	swait.ge [sflag:s4], $0x0  }
0x19: {  	s7 =	sld [smem:$0x3F97]  }
0x1a: {  	s8 =	sadd.s32 $0xFFFFE003, lr  }
0x1b: {  	s9 =	sadd.s32 $0xFFFFFEF7, lr;
	s5 =	simm.s32 $0xFFFFFFFF;
	p2 =	slt.u32 s8, $0xFFFFF086  }
0x1c: {  	p1 =	slt.u32 s9, $0xF7A;
	s5 =	simm.s32 @!p2 $0x0  }
0x1d: {  	s5 =	simm.s32 @p1 $0x1;
	p0 =	seq.s32 s7, s2  }
0x1e: {  	s7 =	smul.u32 @!p0 $0xF7A, s2;
	p2 =	seq.s32 @!p0 s5, $0x0  }
0x1f: {  	s9 =	smul.u32 $0xF7A, s1;
	s8 =	simm.s32 @!p0 $0x1BF5;
	p2 =	por !p2, p0  }
0x20: {  	[sflag:s8] =	ssyncset.s32 @!p0 $0xFFFFF086;
	s6 =	sadd.s32 @!p0 s3, s7;
	s7 =	simm.s32 @!p0 $0x108  }
0x21: {  	s3 =	sadd.s32 s3, s9;
	s6 =	sadd.s32 @!p0 $0x88, s6;
	s7 =	simm.s32 @p2 $0x1082  }
0x22: {  	[simem:s7], [sflag:s8] =	dma.local @!p0 [hbm:s6], $0xF7A  }
0x23: {  	s9 =	sor.u32 $0xD0000000, s2;
	s6 =	simm.s32 $0x108;
	_ =	swait.ge @!p0 [sflag:s8], $0x0  }
0x24: {  	s3 =	sadd.s32 $0x88, s3;
	s6 =	simm.s32 @!p1 $0x1082;
	[sflag:s4] =	ssyncset.s32 $0xFFFFF086  }
0x25: {  	[simem:s6], [sflag:s4] =	dma.local [hbm:s3], $0xF7A  }
0x26: {  	[smem:$0x3F97] =	sst s1;
	(tag) =	ssettag s2;
	_ =	strace s9  }
0x27: {  	s1 =	sld [smem:$0x3FA7]  }
0x28: {  	s2 =	sld [smem:$0x3FA8]  }
0x29: {  	s4 =	sld [smem:$0x3FAA]  }
0x2a: {  	p0 =	seq.s32 s5, $0x0;
	s5 =	sld [smem:$0x3FAB]  }
0x2b: {  	s6 =	sld [smem:$0x3FAC]  }
0x2c: {  	s7 =	sld [smem:$0x3FAD]  }
0x2d: {  	s3 =	simm.s32 $0x108;
	s8 =	sld [smem:$0x3FAE]  }
0x2e: {  	s3 =	simm.s32 @!p0 $0x1082;
	s9 =	sld [smem:$0x3FAF]  }
0x2f: {  	lr =	sadd.s32 s0, s3;
	s0 =	sld [smem:$0x3FA6]  }
0x30: {  	s3 =	sld [smem:$0x3FA9]  }
0x31: {  	[smem:$0x3FB2] =	sst s10  }
0x32: {  	s10 =	sld [smem:$0x3FB0];
	_ =	sdelay $0x3  }
0x33: {  	p0 =	seq.s32 s10, $0x1;
	s10 =	sld [smem:$0x3FB2];
	_ =	sdelay $0x3  }
0x34: {  	[smem:$0x3FB2] =	sst s10  }
0x35: {  	s10 =	sld [smem:$0x3FB1];
	_ =	sdelay $0x3  }
0x36: {  	p1 =	seq.s32 s10, $0x1;
	s10 =	sld [smem:$0x3FB2];
	_ =	sdelay $0x3  }
0x37: {  	[smem:$0x3FB2] =	sst s10  }
0x38: {  	s10 =	sld [smem:$0x3FB3]  }
0x39: {  	_ = 	snop;
	(pc) =	sbr.ind lr, $3  }
0x3a: {  	_ = 	snop  }
0x3b: {  	_ = 	snop  }
0x3c: {  	p2 =	seq.s32 s10, $0x1;
	s10 =	sld [smem:$0x3FB2]  }
0x3d: {  	_ =	shalt  }
0x3e: {  	_ =	shalt  }
0x3f: {  	_ =	shalt  }
0x40: {  	_ =	shalt  }
0x41: {  	_ =	shalt  }
0x42: {  	_ =	shalt  }
0x43: {  	_ =	shalt  }
0x44: {  	_ =	shalt  }
0x45: {  	_ =	shalt  }
0x46: {  	_ =	shalt  }
0x47: {  	_ =	shalt  }
0x48: {  	_ =	shalt  }
0x49: {  	_ =	shalt  }
0x4a: {  	_ =	shalt  }
0x4b: {  	_ =	shalt  }
0x4c: {  	_ =	shalt  }
0x4d: {  	_ =	shalt  }
0x4e: {  	_ =	shalt  }
0x4f: {  	_ =	shalt  }
0x50: {  	_ =	shalt  }
0x51: {  	_ =	shalt  }
0x52: {  	_ =	shalt  }
0x53: {  	_ =	shalt  }
0x54: {  	_ =	shalt  }
0x55: {  	_ =	shalt  }
0x56: {  	_ =	shalt  }
0x57: {  	_ =	shalt  }
0x58: {  	_ =	shalt  }
0x59: {  	_ =	shalt  }
0x5a: {  	_ =	shalt  }
0x5b: {  	_ =	shalt  }
0x5c: {  	_ =	shalt  }
0x5d: {  	_ =	shalt  }
0x5e: {  	_ =	shalt  }
0x5f: {  	_ =	shalt  }
0x60: {  	_ =	shalt  }
0x61: {  	_ =	shalt  }
0x62: {  	_ =	shalt  }
0x63: {  	_ =	shalt  }
0x64: {  	_ =	shalt  }
0x65: {  	_ =	shalt  }
0x66: {  	_ =	shalt  }
0x67: {  	_ =	shalt  }
0x68: {  	_ =	shalt  }
0x69: {  	_ =	shalt  }
0x6a: {  	_ =	shalt  }
0x6b: {  	_ =	shalt  }
0x6c: {  	_ =	shalt  }
0x6d: {  	_ =	shalt  }
0x6e: {  	_ =	shalt  }
0x6f: {  	_ =	shalt  }
0x70: {  	_ =	shalt  }
0x71: {  	_ =	shalt  }
0x72: {  	_ =	shalt  }
0x73: {  	_ =	shalt  }
0x74: {  	_ =	shalt  }
0x75: {  	_ =	shalt  }
0x76: {  	_ =	shalt  }
0x77: {  	_ =	shalt  }
0x78: {  	_ =	shalt  }
0x79: {  	_ =	shalt  }
0x7a: {  	_ =	shalt  }
0x7b: {  	_ =	shalt  }
0x7c: {  	_ =	shalt  }
0x7d: {  	_ =	shalt  }
0x7e: {  	_ =	shalt  }
0x7f: {  	_ =	shalt  }
0x80: {  	_ =	shalt  }
0x81: {  	_ =	shalt  }
0x82: {  	_ =	shalt  }
0x83: {  	_ =	shalt  }
0x84: {  	_ =	shalt  }
0x85: {  	_ =	shalt  }
0x86: {  	_ =	shalt  }
0x87: {  	_ =	shalt  }
.Lfunc_end0:
.L_simem_size_0:
called_computation.1_lowered:
.L_overlay_start_0:
0x88: {  	s2 =	sld [smem:$0x3FD9]  }
0x89: {  	s3 =	sld [smem:$0x3FFE];
	_ =	sdelay $0x1  }
0x8a: {  	s1 =	srdreg.scid  }
0x8b: {  	s0 =	sand.u32 $0x1, s1  }
0x8c: {  	s16 =	sshll.u32 s0, $0xA;
	s2 =	sadd.s32 s3, s2  }
0x8d: {  	s2 =	sadd.s32 s2, s16  }
0x8e: {  	[smem:$0x3FBE] =	sst s2  }
0x8f: {  	_ = 	snop  }
0x90: {  	(tm) =	ssettm $0x1  }
0x91: {  	s17 =	sld [smem:$0x3FFB];
	_ =	sdelay $0x3  }
0x92: {  	_ =	strace s17  }
0x93: {  	s2 =	sld [smem:$0x3FFC];
	_ =	sdelay $0x3  }
0x94: {  	_ =	strace s2  }
0x95: {  	s2 =	sld [smem:$0x3FFD];
	_ =	sdelay $0x3  }
0x96: {  	_ =	strace s2  }
0x97: {  	_ =	strace $0x8FFFFFFF  }
0x98: {  	s18 =	sld [smem:$0x3FDB];
	_ =	sdelay $0x1  }
0x99: {  	s19 =	simm.s32 $_scs_section_size  }
0x9a: {  	s4 =	simm.s32 $_size__tile_overlayer_lowered;
	s5 =	simm.s32 $_tile_overlayer_lowered  }
0x9b: {  	s22 =	simm.s32 $0x1BFF;
	s21 =	sshll.u32 s5, $0x1;
	s2 =	sadd.s32 s19, s18  }
0x9c: {  	s6 =	simm.s32 $0x0;
	s20 =	sshll.u32 s4, $0x1;
	s4 =	sadd.s32 s21, s2  }
0x9d: {  	[timem:s6], [sflag:s22] =	dma.local [hbm:s4], s20  }
0x9e: {  	_ =	swait.ge [sflag:s22], s20  }
0x9f: {  	s3 =	ssub.s32 $0x0, s20;
	[sflag:s22] =	ssyncset.done $0x0  }
0xa0: {  	[sflag:s22] =	ssyncadd.s32 s3;
	_ =	sdelay $0x1  }
0xa1: {  	s23 =	simm.s32 $0x1B8B  }
0xa2: {  	_ =	swait.ge [sflag:s23], $0x1  }
0xa3: {  	[sflag:s23] =	ssyncset.done $0x0  }
0xa4: {  	s25 =	simm.s32 $0x1B8E;
	s24 =	sld [smem:$0x3FFE];
	[sflag:s23] =	ssyncadd.s32 $0xFFFFFFFF  }
0xa5: {  	s26 =	simm.s32 $execute0_lowered;
	[smem:$0x3FD2] =	sst s25  }
0xa6: {  	s4 =	sshll.u32 s26, $0x1;
	_ =	strace $0x80000049;
	[dreg:$0x1] =	wrdreg $0xFFFFFFFF  }
0xa7: {  	s28 =	simm.s32 $_size_execute0_lowered;
	s2 =	sadd.s32 s2, s4;
	[dreg:$0x0] =	wrdreg $0x0  }
0xa8: {  	s4 =	sshll.u32 s28, $0x1;
	[dreg:$0x2] =	wrdreg s2  }
0xa9: {  	[dreg:$0x3] =	wrdreg s4  }
0xaa: {  	[dreg:$0x4] =	wrdreg $0xC0  }
0xab: {  	_ =	task [dreg:s6], $0x5FFFF  }
0xac: {  	[dreg:$0x1] =	wrdreg $0xFFFFFFFF  }
0xad: {  	[dreg:$0x0] =	wrdreg $0x60  }
0xae: {  	[dreg:$0x2] =	wrdreg s24  }
0xaf: {  	[dreg:$0x3] =	wrdreg $0x9  }
0xb0: {  	_ =	task.clear_ibuf [dreg:s6], $0x4FFFF;
	_ =	strace $0x90000049  }
0xb1: {  	s29 =	simm.s32 $0x9;
	_ =	strace $0x8000004B  }
0xb2: {  	_ =	swait.ge [sflag:s29], $0x1  }
0xb3: {  	[sflag:s29] =	ssyncadd.s32 $0xFFFFFFFF  }
0xb4: {  	_ =	strace $0x9000004B  }
0xb5: {  	_ =	sfence  }
0xb6: {  	s30 =	sld [smem:$0x0];
	_ =	sdelay $0x2  }
0xb7: {  	s31 =	sshll.u32 s1, $0xD;
	s1 =	sshrl.u32 s1, $0x2  }
0xb8: {  	s3 =	sand.u32 $0x4000, s31;
	s1 =	sadd.s32 s1, s30  }
0xb9: {  	s0 =	sor.u32 s3, s0;
	s1 =	sshll.u32 s1, $0x11  }
0xba: {  	s0 =	sor.u32 s1, s0  }
0xbb: {  	s0 =	sadd.s32 $0x8F2B, s0  }
0xbc: {  	[sflag:s0] =	ssyncadd.remote.s32 $0x1  }
0xbd: {  	_ =	sfence.sel $0xFFFF  }
0xbe: {  	[dreg:$0x0] =	wrdreg $0xFFFFFFFF;
	(pc) =	sbr.abs _section_cstart, $3  }
0xbf: {  	[dreg:$0x1] =	wrdreg $0xFFFFFFFF  }
0xc0: {  	_ =	task.clear_ibuf [dreg:s6], $0x2FFFF;
	_ =	strace $0x9FFFFFFF  }
0xc1: {  	(tm) =	ssettm $0x7FFFFFFF  }
tec
execute0_lowered:
.L_overlay_start_1:
0x0: {  	(tag) =	ssettag $0x1  }
0x1: {  	s1 =	srdreg.scid  }
0x2: {  	s0 =	stileid.u32;
	s4 =	rddreg [dreg:$0x0];
	s9 =	simm.s32 $0x7600  }
0x3: {  	s10 =	simm.s32 $0x1;
	s11 =	simm.s32 $0x2;
	s12 =	simm.s32 $0x3  }
0x4: {  	s13 =	simm.s32 $0xC480;
	s14 =	simm.s32 $0x80;
	s15 =	simm.s32 $0x400  }
0x5: {  	s16 =	simm.s32 $0x4;
	s17 =	simm.s32 $0x0;
	s5 =	sand.u32 $0x1, s1  }
0x6: {  	s2 =	sshll.u32 s0, $0x1;
	s1 =	rddreg [dreg:$0x1];
	s6 =	sshrl.u32 s0, $0x2  }
0x7: {  	s3 =	sor.u32 s5, s2;
	s2 =	simm.s32 $0x0;
	s6 =	smul.u32 $0x13C00, s6  }
0x8: {  	s5 =	ssub.s32 $0x2, s5;
	s7 =	sshll.u32 s3, $0x7;
	[smem:$0x7FF] =	sst s2  }
0x9: {  	s8 =	smul.u32 $0x9C4, s3;
	s3 =	sadd.s32 $0x27C00, s4;
	s7 =	sand.u32 $0x380, s7  }
0xa: {  	s30 =	sshrl.u32 s5, $0x1;
	_ =	strace $0x8000004A;
	s6 =	sor.u32 s6, s7  }
0xb: {  	s31 =	ssub.s32 s5, s30;
	s29 =	sadd.s32 s8, s4;
	s6 =	sshrl.u32 s6, $0x3  }
0xc: {  	s7 =	smax.u32 s31, $0x1;
	s8 =	simm.s32 $0x2780;
	s6 =	sadd.s32 s6, s4  }
0xd: {  	v0 =	vimm.f32 $0.0e+00;
	s5 =	sadd.s32 $0x800, s29;
	s4 =	sadd.s32 $0x14200, s29;
	s6 =	sadd.s32 $0x28200, s6  }
.LBB2_1:
0xe: {  	[tilespmem:s2], [sflag:$0x1] =	stream.linear.gather [hbm4b:s3+s2], $0x2780, $0x38;
	[tilespmem:$0xEC00] =	vst v63  }
0xf: {  	_ = 	snop  }
0x10: {  	[tilespmem:s8], [sflag:$0x2] =	stream.linear.gather [hbm4b:s4+s2], $0x4E20, $0x38;
	[tilespmem:$0xEC00] =	vst v63  }
0x11: {  	s18 =	simm.s32 $0xC4A0  }
0x12: {  	[tilespmem:s9], [sflag:$0x3] =	stream.linear.gather [hbm4b:s5+s2], $0x4E20, $0x38;
	[tilespmem:$0xEC00] =	vst v63  }
0x13: {  	[tilespmem:s18+$0xFFFFFFE0] =	vst v0  }
0x14: {  	[tilespmem:s18+$0x20] =	vst v0  }
0x15: {  	[tilespmem:s18+$0x10] =	vst v0  }
0x16: {  	s19 =	simm.s32 $0x0;
	[tilespmem:s18+$0x0] =	vst v0  }
.LBB2_2:
0x17: {  	s19 =	sadd.s32 $0x5, s19  }
0x18: {  	[tilespmem:s18+$0xFFFFFFF0] =	vst v0;
	s18 =	sadd.s32 $0x50, s18;
	p0 =	slt.u32 s19, $0x26C  }
.Ltmp0:
0x19: {  	[tilespmem:s18+$0xFFFFFFE0] =	vst v0;
	(pc) =	sbr.rel @p0 .LBB2_2-.Ltmp0, $4  }
0x1a: {  	_ = 	snop  }
0x1b: {  	[tilespmem:s18+$0x20] =	vst v0  }
0x1c: {  	[tilespmem:s18+$0x10] =	vst v0  }
0x1d: {  	[tilespmem:s18+$0x0] =	vst v0  }
0x1e: {  	[tilespmem:s18+$0xFFFFFFF0] =	vst v0  }
0x1f: {  	_ =	swait.ge [sflag:s10], $0x2780  }
0x20: {  	[sflag:s10] =	ssyncset.done $0x0  }
0x21: {  	[sflag:s10] =	ssyncadd.s32 $0xFFFFD880  }
0x22: {  	_ =	swait.ge [sflag:s11], $0x4E20  }
0x23: {  	[sflag:s11] =	ssyncset.done $0x0  }
0x24: {  	[sflag:s11] =	ssyncadd.s32 $0xFFFFB1E0  }
0x25: {  	_ =	swait.ge [sflag:s12], $0x4E20  }
0x26: {  	[sflag:s12] =	ssyncset.done $0x0  }
0x27: {  	s31 =	simm.s32 $0x0;
	s19 =	simm.s32 $0x2840;
	[sflag:s12] =	ssyncadd.s32 $0xFFFFB1E0  }
0x28: {  	s20 =	sand.u32 $0x7FF0, s31;
	v1 =	vld [tilespmem:s19+$0xB0]  }
0x29: {  	v2 =	vld [tilespmem:s20+$0x2900]  }
0x2a: {  	v3 =	vld [tilespmem:s20+$0x2800]  }
0x2b: {  	v4 =	vld [tilespmem:s20+$0x2880]  }
0x2c: {  	v5 =	vld [tilespmem:s20+$0x7680]  }
0x2d: {  	s18 =	simm.s32 $0x76C0;
	v6 =	vld [tilespmem:s20+$0x7700]  }
0x2e: {  	v7 =	vld [tilespmem:s18+$0xB0]  }
0x2f: {  	v8 =	vld [tilespmem:s20+$0x7780]  }
0x30: {  	v9 =	vld [tilespmem:s19+$0xFFFFFF50]  }
0x31: {  	v10 =	vld [tilespmem:s19+$0xFFFFFF60]  }
0x32: {  	v59 =	vld [tilespmem:s19+$0xFFFFFFA0]  }
0x33: {  	v60 =	vld [tilespmem:s19+$0xFFFFFFB0]  }
0x34: {  	v61 =	vld [tilespmem:s19+$0xFFFFFFD0]  }
0x35: {  	v62 =	vld [tilespmem:s19+$0xFFFFFFE0]  }
0x36: {  	v63 =	vld [tilespmem:s19+$0xFFFFFFF0]  }
0x37: {  	v11 =	vld [tilespmem:s19+$0x0]  }
0x38: {  	v12 =	vld [tilespmem:s19+$0x10]  }
0x39: {  	v13 =	vld [tilespmem:s19+$0x20]  }
0x3a: {  	v14 =	vld [tilespmem:s19+$0x30]  }
0x3b: {  	v15 =	vld [tilespmem:s19+$0x50]  }
0x3c: {  	v16 =	vld [tilespmem:s19+$0x60]  }
0x3d: {  	v17 =	vld [tilespmem:s19+$0x70]  }
0x3e: {  	v18 =	vld [tilespmem:s19+$0x80]  }
0x3f: {  	v19 =	vld [tilespmem:s19+$0x90]  }
0x40: {  	v20 =	vld [tilespmem:s19+$0xA0]  }
0x41: {  	v21 =	vld [tilespmem:s19+$0xFFFFFF40]  }
0x42: {  	v22 =	vld [tilespmem:s18+$0xFFFFFF40]  }
0x43: {  	v23 =	vld [tilespmem:s18+$0xFFFFFF50]  }
0x44: {  	v24 =	vld [tilespmem:s18+$0xFFFFFF60]  }
0x45: {  	v25 =	vld [tilespmem:s18+$0xFFFFFF70]  }
0x46: {  	v26 =	vld [tilespmem:s18+$0xFFFFFF80]  }
0x47: {  	v27 =	vld [tilespmem:s18+$0xFFFFFF90]  }
0x48: {  	v28 =	vld [tilespmem:s18+$0xFFFFFFA0]  }
0x49: {  	v29 =	vld [tilespmem:s18+$0xFFFFFFB0]  }
0x4a: {  	v30 =	vld [tilespmem:s18+$0xFFFFFFD0]  }
0x4b: {  	v31 =	vld [tilespmem:s18+$0xFFFFFFE0]  }
0x4c: {  	v32 =	vld [tilespmem:s18+$0xFFFFFFF0]  }
0x4d: {  	v33 =	vld [tilespmem:s18+$0x0]  }
0x4e: {  	v34 =	vld [tilespmem:s18+$0x10]  }
0x4f: {  	v35 =	vld [tilespmem:s18+$0x20]  }
0x50: {  	v36 =	vld [tilespmem:s18+$0x30]  }
0x51: {  	v37 =	vld [tilespmem:s18+$0x50]  }
0x52: {  	v38 =	vld [tilespmem:s18+$0x60]  }
0x53: {  	v39 =	vld [tilespmem:s18+$0x70]  }
0x54: {  	v40 =	vld [tilespmem:s18+$0x80]  }
0x55: {  	v41 =	vld [tilespmem:s18+$0x90]  }
0x56: {  	v42 =	vld [tilespmem:s18+$0xA0]  }
0x57: {  	v1 =	vld.idx.msk [tilespmem:v1+s2+$0x0], $0xffff  }
0x58: {  	v2 =	vld.idx.msk [tilespmem:v2+s2+$0x0], $0xffff  }
0x59: {  	v3 =	vld.idx.msk [tilespmem:v3+s2+$0x0], $0xffff  }
0x5a: {  	v4 =	vld.idx.msk [tilespmem:v4+s2+$0x0], $0xffff  }
0x5b: {  	v9 =	vld.idx.msk [tilespmem:v9+s2+$0x0], $0xffff  }
0x5c: {  	v10 =	vld.idx.msk [tilespmem:v10+s2+$0x0], $0xffff  }
0x5d: {  	v21 =	vld.idx.msk [tilespmem:v21+s2+$0x0], $0xffff  }
0x5e: {  	v11 =	vld.idx.msk [tilespmem:v11+s2+$0x0], $0xffff  }
0x5f: {  	v12 =	vld.idx.msk [tilespmem:v12+s2+$0x0], $0xffff  }
0x60: {  	v13 =	vld.idx.msk [tilespmem:v13+s2+$0x0], $0xffff  }
0x61: {  	v14 =	vld.idx.msk [tilespmem:v14+s2+$0x0], $0xffff  }
0x62: {  	v15 =	vld.idx.msk [tilespmem:v15+s2+$0x0], $0xffff  }
0x63: {  	v16 =	vld.idx.msk [tilespmem:v16+s2+$0x0], $0xffff  }
0x64: {  	v17 =	vld.idx.msk [tilespmem:v17+s2+$0x0], $0xffff  }
0x65: {  	v18 =	vld.idx.msk [tilespmem:v18+s2+$0x0], $0xffff  }
0x66: {  	v19 =	vld.idx.msk [tilespmem:v19+s2+$0x0], $0xffff  }
0x67: {  	v20 =	vld.idx.msk [tilespmem:v20+s2+$0x0], $0xffff  }
0x68: {  	[tilespmem:v7+s13+$0x0] =	vst.idx.add.f32.msk $0xffff, v1  }
0x69: {  	[tilespmem:v8+s13+$0x0] =	vst.idx.add.f32.msk $0xffff, v2  }
0x6a: {  	[tilespmem:v5+s13+$0x0] =	vst.idx.add.f32.msk $0xffff, v3  }
0x6b: {  	[tilespmem:v6+s13+$0x0] =	vst.idx.add.f32.msk $0xffff, v4  }
0x6c: {  	v1 =	vld [tilespmem:s19+$0xFFFFFF70]  }
0x6d: {  	v2 =	vld [tilespmem:s19+$0xFFFFFF80]  }
0x6e: {  	v3 =	vld [tilespmem:s19+$0xFFFFFF90]  }
0x6f: {  	v4 =	vld.idx.msk [tilespmem:v59+s2+$0x0], $0xffff  }
0x70: {  	v5 =	vld.idx.msk [tilespmem:v60+s2+$0x0], $0xffff  }
0x71: {  	v6 =	vld.idx.msk [tilespmem:v61+s2+$0x0], $0xffff  }
0x72: {  	v7 =	vld.idx.msk [tilespmem:v62+s2+$0x0], $0xffff  }
0x73: {  	v8 =	vld.idx.msk [tilespmem:v63+s2+$0x0], $0xffff  }
0x74: {  	[tilespmem:v22+s13+$0x0] =	vst.idx.add.f32.msk $0xffff, v21  }
0x75: {  	[tilespmem:v23+s13+$0x0] =	vst.idx.add.f32.msk $0xffff, v9  }
0x76: {  	[tilespmem:v24+s13+$0x0] =	vst.idx.add.f32.msk $0xffff, v10  }
0x77: {  	[tilespmem:v33+s13+$0x0] =	vst.idx.add.f32.msk $0xffff, v11  }
0x78: {  	[tilespmem:v34+s13+$0x0] =	vst.idx.add.f32.msk $0xffff, v12  }
0x79: {  	[tilespmem:v35+s13+$0x0] =	vst.idx.add.f32.msk $0xffff, v13  }
0x7a: {  	[tilespmem:v36+s13+$0x0] =	vst.idx.add.f32.msk $0xffff, v14  }
0x7b: {  	[tilespmem:v37+s13+$0x0] =	vst.idx.add.f32.msk $0xffff, v15  }
0x7c: {  	[tilespmem:v38+s13+$0x0] =	vst.idx.add.f32.msk $0xffff, v16  }
0x7d: {  	[tilespmem:v39+s13+$0x0] =	vst.idx.add.f32.msk $0xffff, v17  }
0x7e: {  	[tilespmem:v40+s13+$0x0] =	vst.idx.add.f32.msk $0xffff, v18  }
0x7f: {  	[tilespmem:v41+s13+$0x0] =	vst.idx.add.f32.msk $0xffff, v19  }
0x80: {  	[tilespmem:v42+s13+$0x0] =	vst.idx.add.f32.msk $0xffff, v20  }
0x81: {  	[tilespmem:v28+s13+$0x0] =	vst.idx.add.f32.msk $0xffff, v4  }
0x82: {  	[tilespmem:v29+s13+$0x0] =	vst.idx.add.f32.msk $0xffff, v5  }
0x83: {  	[tilespmem:v30+s13+$0x0] =	vst.idx.add.f32.msk $0xffff, v6  }
0x84: {  	v1 =	vld.idx.msk [tilespmem:v1+s2+$0x0], $0xffff  }
0x85: {  	v2 =	vld.idx.msk [tilespmem:v2+s2+$0x0], $0xffff  }
0x86: {  	v3 =	vld.idx.msk [tilespmem:v3+s2+$0x0], $0xffff  }
0x87: {  	[tilespmem:v31+s13+$0x0] =	vst.idx.add.f32.msk $0xffff, v7  }
0x88: {  	[tilespmem:v32+s13+$0x0] =	vst.idx.add.f32.msk $0xffff, v8  }
0x89: {  	[tilespmem:v25+s13+$0x0] =	vst.idx.add.f32.msk $0xffff, v1  }
0x8a: {  	[tilespmem:v26+s13+$0x0] =	vst.idx.add.f32.msk $0xffff, v2  }
0x8b: {  	s21 =	simm.s32 $0x29D0;
	s20 =	simm.s32 $0x190;
	s19 =	simm.s32 $0x0;
	[tilespmem:v27+s13+$0x0] =	vst.idx.add.f32.msk $0xffff, v3  }
.LBB2_4:
0x8c: {  	s22 =	sand.u32 $0x7FF0, s20;
	v1 =	vld [tilespmem:s21+$0xB0];
	s19 =	sadd.s32 $0x19, s19  }
0x8d: {  	v2 =	vld [tilespmem:s22+$0x2900];
	p0 =	slt.u32 s19, $0x4C9  }
0x8e: {  	v3 =	vld [tilespmem:s22+$0x2800]  }
0x8f: {  	v4 =	vld [tilespmem:s22+$0x2880]  }
0x90: {  	v5 =	vld [tilespmem:s22+$0x7680]  }
0x91: {  	s18 =	sadd.s32 $0x190, s18;
	v6 =	vld [tilespmem:s22+$0x7700]  }
0x92: {  	v7 =	vld [tilespmem:s18+$0xB0]  }
0x93: {  	v8 =	vld [tilespmem:s22+$0x7780]  }
0x94: {  	v1 =	vld.idx.msk [tilespmem:v1+s2+$0x0], $0xffff  }
0x95: {  	v2 =	vld.idx.msk [tilespmem:v2+s2+$0x0], $0xffff  }
0x96: {  	v3 =	vld.idx.msk [tilespmem:v3+s2+$0x0], $0xffff  }
0x97: {  	v4 =	vld.idx.msk [tilespmem:v4+s2+$0x0], $0xffff  }
0x98: {  	v9 =	vld [tilespmem:s21+$0xFFFFFF50]  }
0x99: {  	v10 =	vld [tilespmem:s21+$0xFFFFFF60]  }
0x9a: {  	[tilespmem:v7+s13+$0x0] =	vst.idx.add.f32.msk $0xffff, v1  }
0x9b: {  	[tilespmem:v8+s13+$0x0] =	vst.idx.add.f32.msk $0xffff, v2  }
0x9c: {  	[tilespmem:v5+s13+$0x0] =	vst.idx.add.f32.msk $0xffff, v3  }
0x9d: {  	[tilespmem:v6+s13+$0x0] =	vst.idx.add.f32.msk $0xffff, v4  }
0x9e: {  	v1 =	vld [tilespmem:s21+$0xFFFFFF70]  }
0x9f: {  	v2 =	vld [tilespmem:s21+$0xFFFFFF80]  }
0xa0: {  	v3 =	vld [tilespmem:s21+$0xFFFFFF90]  }
0xa1: {  	v4 =	vld [tilespmem:s21+$0xFFFFFFA0]  }
0xa2: {  	v5 =	vld [tilespmem:s21+$0xFFFFFFB0]  }
0xa3: {  	v6 =	vld [tilespmem:s21+$0xFFFFFFD0]  }
0xa4: {  	v7 =	vld [tilespmem:s21+$0xFFFFFFE0]  }
0xa5: {  	v8 =	vld [tilespmem:s21+$0xFFFFFFF0]  }
0xa6: {  	v11 =	vld [tilespmem:s21+$0x0]  }
0xa7: {  	v12 =	vld [tilespmem:s21+$0x10]  }
0xa8: {  	v13 =	vld [tilespmem:s21+$0x20]  }
0xa9: {  	v14 =	vld [tilespmem:s21+$0x30]  }
0xaa: {  	v15 =	vld [tilespmem:s21+$0x50]  }
0xab: {  	v16 =	vld [tilespmem:s21+$0x60]  }
0xac: {  	v17 =	vld [tilespmem:s21+$0x70]  }
0xad: {  	v18 =	vld [tilespmem:s21+$0x80]  }
0xae: {  	v19 =	vld [tilespmem:s21+$0x90]  }
0xaf: {  	v20 =	vld [tilespmem:s21+$0xA0]  }
0xb0: {  	v21 =	vld [tilespmem:s21+$0xFFFFFF40]  }
0xb1: {  	v9 =	vld.idx.msk [tilespmem:v9+s2+$0x0], $0xffff  }
0xb2: {  	v10 =	vld.idx.msk [tilespmem:v10+s2+$0x0], $0xffff  }
0xb3: {  	v1 =	vld.idx.msk [tilespmem:v1+s2+$0x0], $0xffff  }
0xb4: {  	v2 =	vld.idx.msk [tilespmem:v2+s2+$0x0], $0xffff  }
0xb5: {  	v3 =	vld.idx.msk [tilespmem:v3+s2+$0x0], $0xffff  }
0xb6: {  	v4 =	vld.idx.msk [tilespmem:v4+s2+$0x0], $0xffff  }
0xb7: {  	v5 =	vld.idx.msk [tilespmem:v5+s2+$0x0], $0xffff  }
0xb8: {  	v21 =	vld.idx.msk [tilespmem:v21+s2+$0x0], $0xffff  }
0xb9: {  	v6 =	vld.idx.msk [tilespmem:v6+s2+$0x0], $0xffff  }
0xba: {  	v7 =	vld.idx.msk [tilespmem:v7+s2+$0x0], $0xffff  }
0xbb: {  	v8 =	vld.idx.msk [tilespmem:v8+s2+$0x0], $0xffff  }
0xbc: {  	v11 =	vld.idx.msk [tilespmem:v11+s2+$0x0], $0xffff  }
0xbd: {  	v12 =	vld.idx.msk [tilespmem:v12+s2+$0x0], $0xffff  }
0xbe: {  	v13 =	vld.idx.msk [tilespmem:v13+s2+$0x0], $0xffff  }
0xbf: {  	v14 =	vld.idx.msk [tilespmem:v14+s2+$0x0], $0xffff  }
0xc0: {  	v15 =	vld.idx.msk [tilespmem:v15+s2+$0x0], $0xffff  }
0xc1: {  	v16 =	vld.idx.msk [tilespmem:v16+s2+$0x0], $0xffff  }
0xc2: {  	v17 =	vld.idx.msk [tilespmem:v17+s2+$0x0], $0xffff  }
0xc3: {  	v18 =	vld.idx.msk [tilespmem:v18+s2+$0x0], $0xffff  }
0xc4: {  	v19 =	vld.idx.msk [tilespmem:v19+s2+$0x0], $0xffff  }
0xc5: {  	v20 =	vld.idx.msk [tilespmem:v20+s2+$0x0], $0xffff  }
0xc6: {  	v22 =	vld [tilespmem:s18+$0xFFFFFF40]  }
0xc7: {  	v23 =	vld [tilespmem:s18+$0xFFFFFF50]  }
0xc8: {  	v24 =	vld [tilespmem:s18+$0xFFFFFF60]  }
0xc9: {  	v25 =	vld [tilespmem:s18+$0xFFFFFF70]  }
0xca: {  	v26 =	vld [tilespmem:s18+$0xFFFFFF80]  }
0xcb: {  	v27 =	vld [tilespmem:s18+$0xFFFFFF90]  }
0xcc: {  	v28 =	vld [tilespmem:s18+$0xFFFFFFA0]  }
0xcd: {  	v29 =	vld [tilespmem:s18+$0xFFFFFFB0]  }
0xce: {  	v30 =	vld [tilespmem:s18+$0xFFFFFFD0]  }
0xcf: {  	v31 =	vld [tilespmem:s18+$0xFFFFFFE0]  }
0xd0: {  	v32 =	vld [tilespmem:s18+$0xFFFFFFF0]  }
0xd1: {  	v33 =	vld [tilespmem:s18+$0x0]  }
0xd2: {  	v34 =	vld [tilespmem:s18+$0x10]  }
0xd3: {  	v35 =	vld [tilespmem:s18+$0x20]  }
0xd4: {  	v36 =	vld [tilespmem:s18+$0x30]  }
0xd5: {  	v37 =	vld [tilespmem:s18+$0x50]  }
0xd6: {  	v38 =	vld [tilespmem:s18+$0x60]  }
0xd7: {  	v39 =	vld [tilespmem:s18+$0x70]  }
0xd8: {  	v40 =	vld [tilespmem:s18+$0x80]  }
0xd9: {  	v41 =	vld [tilespmem:s18+$0x90]  }
0xda: {  	v42 =	vld [tilespmem:s18+$0xA0]  }
0xdb: {  	[tilespmem:v22+s13+$0x0] =	vst.idx.add.f32.msk $0xffff, v21  }
0xdc: {  	[tilespmem:v23+s13+$0x0] =	vst.idx.add.f32.msk $0xffff, v9  }
0xdd: {  	[tilespmem:v24+s13+$0x0] =	vst.idx.add.f32.msk $0xffff, v10  }
0xde: {  	[tilespmem:v25+s13+$0x0] =	vst.idx.add.f32.msk $0xffff, v1  }
0xdf: {  	[tilespmem:v26+s13+$0x0] =	vst.idx.add.f32.msk $0xffff, v2  }
0xe0: {  	[tilespmem:v27+s13+$0x0] =	vst.idx.add.f32.msk $0xffff, v3  }
0xe1: {  	[tilespmem:v28+s13+$0x0] =	vst.idx.add.f32.msk $0xffff, v4  }
0xe2: {  	[tilespmem:v29+s13+$0x0] =	vst.idx.add.f32.msk $0xffff, v5  }
0xe3: {  	[tilespmem:v30+s13+$0x0] =	vst.idx.add.f32.msk $0xffff, v6  }
0xe4: {  	[tilespmem:v31+s13+$0x0] =	vst.idx.add.f32.msk $0xffff, v7  }
0xe5: {  	[tilespmem:v32+s13+$0x0] =	vst.idx.add.f32.msk $0xffff, v8  }
0xe6: {  	[tilespmem:v33+s13+$0x0] =	vst.idx.add.f32.msk $0xffff, v11  }
0xe7: {  	[tilespmem:v34+s13+$0x0] =	vst.idx.add.f32.msk $0xffff, v12  }
0xe8: {  	[tilespmem:v35+s13+$0x0] =	vst.idx.add.f32.msk $0xffff, v13  }
0xe9: {  	[tilespmem:v36+s13+$0x0] =	vst.idx.add.f32.msk $0xffff, v14  }
0xea: {  	[tilespmem:v37+s13+$0x0] =	vst.idx.add.f32.msk $0xffff, v15  }
.Ltmp1:
0xeb: {  	[tilespmem:v38+s13+$0x0] =	vst.idx.add.f32.msk $0xffff, v16;
	(pc) =	sbr.rel @p0 .LBB2_4-.Ltmp1, $4  }
0xec: {  	[tilespmem:v39+s13+$0x0] =	vst.idx.add.f32.msk $0xffff, v17  }
0xed: {  	[tilespmem:v40+s13+$0x0] =	vst.idx.add.f32.msk $0xffff, v18  }
0xee: {  	[tilespmem:v41+s13+$0x0] =	vst.idx.add.f32.msk $0xffff, v19  }
0xef: {  	s20 =	sadd.s32 $0x190, s20;
	s21 =	sadd.s32 $0x190, s21;
	[tilespmem:v42+s13+$0x0] =	vst.idx.add.f32.msk $0xffff, v20  }
0xf0: {  	s17 =	sadd.s32 $0x1, s17  }
0xf1: {  	p0 =	sne.s32 s17, s7  }
.Ltmp2:
0xf2: {  	_ = 	snop;
	(pc) =	sbr.rel @p0 .LBB2_1-.Ltmp2, $4  }
0xf3: {  	[hbm4b:s6+s14] =	stream.strided.scatter [tilespmem:s13], [sflag:$0x4], $0x2780, s15, s14, $0x38;
	[tilespmem:$0xEC00] =	vst v63  }
0xf4: {  	_ =	swait.ge [sflag:s16], $0x2780  }
0xf5: {  	[sflag:s16] =	ssyncset.done $0x0  }
0xf6: {  	[sflag:s16] =	ssyncadd.s32 $0xFFFFD880  }
0xf7: {  	_ =	sfence.sel $0x180000  }
0xf8: {  	[bflag:$0x0] =	sbarrier.arrive $0xFFFF  }
0xf9: {  	p0 =	sne.s32 s0, $0x0;
	_ =	strace $0x9000004A  }
0xfa: {  	s0 =	sadd.s32 @!p0 $0x100000, s1;
	[bflag:$0x2] =	sbarrier.arrive $0xFFFF  }
0xfb: {  	[sflag:s0] =	ssyncadd.tile.s32 @!p0 $0x1;
	_ =	shalt  }
.Lfunc_end2:
_tile_overlayer_lowered:
.L_overlay_start_2:
0xfc: {  	(tag) =	ssettag $0x2  }
0xfd: {  	s0 =	rddreg [dreg:$0x0];
	s2 =	stileid.u32  }
0xfe: {  	s1 =	rddreg [dreg:$0x1];
	p0 =	sne.s32 s2, $0x0  }
0xff: {  	s3 =	rddreg [dreg:$0x2];
	[bflag:$0x3] =	sbarrier.arrive $0xFFFF;
	s2 =	simm.s32 @!p0 $0x1C04  }
0x100: {  	[timem:s3], [sflag:s2] =	dma.local @!p0 [hbm:s0], s1  }
0x101: {  	s0 =	simm.s32 @!p0 $0x4  }
0x102: {  	_ =	swait.ge @!p0 [sflag:s0], s1  }
0x103: {  	s1 =	ssub.s32 @!p0 $0x0, s1;
	[sflag:s0] =	ssyncset.done @!p0 $0x0  }
0x104: {  	[sflag:s0] =	ssyncadd.s32 @!p0 s1  }
0x105: {  	[bflag:$0x3] =	sbarrier.arrive $0xFFFF  }
0x106: {  	_ =	shalt  }

</sc_bundles>
